<compile_context>
chip_gen: v7x
topology: tpu7x:2x2x1
jax: 0.10.2.dev20260603
libtpu: 0.0.44.dev20260713+nightly
codegen_flags: <defaults>
</compile_context>

<pallas_src>
import functools

import jax
import jax.numpy as jnp
from jax import lax
from jax.experimental import pallas as pl
from jax.experimental.pallas import tpu as pltpu
from jax.experimental.pallas import tpu_sc as plsc

B = 16
N = 2048
M = 2048
L = 16
NC = 2
NS = 16
NW = NC * NS
ROWS = N // 2
RB = 8
INF = float("inf")


def _chamfer_body(gt_hbm, pred_hbm, rowmin_hbm, colmin_hbm,
                  gt_v, pred_v, colmin_v, rowmin_v, acc_tile):
    wid = lax.axis_index("s") * NC + lax.axis_index("c")
    b = wid // 2
    h = wid % 2

    pltpu.sync_copy(gt_hbm.at[b], gt_v)
    pltpu.sync_copy(pred_hbm.at[b], pred_v)

    inf16 = jnp.full((L,), INF, jnp.float32)

    def init_col(jc, _):
        colmin_v[pl.ds(jc * L, L)] = inf16
        return 0

    lax.fori_loop(0, M // L, init_col, 0)

    row0 = h * ROWS
    lane = lax.iota(jnp.int32, L)

    def row_block(rb, _):
        base = row0 + rb * L
        gx16 = gt_v[0, pl.ds(base, L)]
        gy16 = gt_v[1, pl.ds(base, L)]
        gz16 = gt_v[2, pl.ds(base, L)]
        for sub in range(L // RB):
            g = []
            for r in range(RB):
                ln = sub * RB + r
                g.append((jnp.full((L,), gx16[ln]),
                          jnp.full((L,), gy16[ln]),
                          jnp.full((L,), gz16[ln])))

            def col_chunk(jc, accs):
                px = pred_v[0, pl.ds(jc * L, L)]
                py = pred_v[1, pl.ds(jc * L, L)]
                pz = pred_v[2, pl.ds(jc * L, L)]
                cm = colmin_v[pl.ds(jc * L, L)]
                out = []
                for r in range(RB):
                    dx = px - g[r][0]
                    dy = py - g[r][1]
                    dz = pz - g[r][2]
                    d = dx * dx + dy * dy + dz * dz
                    out.append(jnp.minimum(accs[r], d))
                    cm = jnp.minimum(cm, d)
                colmin_v[pl.ds(jc * L, L)] = cm
                return tuple(out)

            accs = lax.fori_loop(0, M // L, col_chunk, (inf16,) * RB)
            for r in range(RB):
                acc_tile[sub * RB + r, :] = accs[r]
        cols = [plsc.load_gather(acc_tile,
                                 [lane, jnp.full((L,), c, jnp.int32)])
                for c in range(L)]
        while len(cols) > 1:
            cols = [jnp.minimum(cols[2 * i], cols[2 * i + 1])
                    for i in range(len(cols) // 2)]
        rowmin_v[pl.ds(rb * L, L)] = cols[0]
        return 0

    lax.fori_loop(0, ROWS // L, row_block, 0)

    pltpu.sync_copy(rowmin_v, rowmin_hbm.at[wid])
    pltpu.sync_copy(colmin_v, colmin_hbm.at[wid])


@jax.jit
def kernel(gt, pred):
    gt_t = jnp.transpose(gt, (0, 2, 1))
    pred_t = jnp.transpose(pred, (0, 2, 1))

    mesh = plsc.VectorSubcoreMesh(core_axis_name="c", subcore_axis_name="s")
    rowmin, colmin = pl.kernel(
        _chamfer_body,
        out_type=(
            jax.ShapeDtypeStruct((NW, ROWS), jnp.float32),
            jax.ShapeDtypeStruct((NW, M), jnp.float32),
        ),
        mesh=mesh,
        compiler_params=pltpu.CompilerParams(needs_layout_passes=False),
        scratch_types=[
            pltpu.VMEM((3, N), jnp.float32),
            pltpu.VMEM((3, M), jnp.float32),
            pltpu.VMEM((M,), jnp.float32),
            pltpu.VMEM((ROWS,), jnp.float32),
            pltpu.VMEM((L, L), jnp.float32),
        ],
    )(gt_t, pred_t)

    cost_for = rowmin.reshape(B, N)
    cost_bac = colmin.reshape(B, 2, M).min(axis=1)
    return jnp.mean(cost_for) + jnp.mean(cost_bac)

# --- scband reference (transcript-rebuilt; emitter-appended) ---
"""Pipeline reference for scband-chamfer-loss-83442624626996 (READ-ONLY COPY).

The authoritative reference and input builder live on the scoring server;
editing this copy changes nothing except your own understanding.
"""

import jax, jax.numpy as jnp
import numpy as np


def chamfer_distance(gt, pred):
    # gt: (B, N, 3), pred: (B, M, 3)
    # pairwise squared distances (B, N, M)
    diff = gt[:, :, None, :] - pred[:, None, :, :]
    dist = jnp.sum(diff * diff, axis=-1)
    cost_for = jnp.min(dist, axis=2)  # for each gt point, nearest pred (B, N)
    cost_bac = jnp.min(dist, axis=1)  # for each pred point, nearest gt (B, M)
    return cost_for, cost_bac


def setup_inputs(seed: int = 0) -> dict:
    key = jax.random.key(seed)
    k1, k2 = jax.random.split(key)
    gt = jax.random.normal(k1, (16, 2048, 3), dtype=jnp.float32)
    pred = jax.random.normal(k2, (16, 2048, 3), dtype=jnp.float32)
    return {"gt": gt, "pred": pred}


def reference(gt, pred):
    cost_for, cost_bac = chamfer_distance(gt, pred)
    loss = jnp.mean(cost_for) + jnp.mean(cost_bac)
    return loss

if __name__ == "__main__":
    import jax
    _d = setup_inputs()
    print(jax.jit(kernel)(*tuple(_d.values())))

</pallas_src>

<mosaic_0001>
#map = affine_map<(d0, d1) -> (0, 0, 0)>
#map1 = affine_map<(d0, d1) -> (0, 0)>
module attributes {stable_mosaic.version = 14 : i64} {
  func.func @_chamfer_body(%arg0: i32, %arg1: i32, %arg2: memref<16x3x2048xf32, #tpu.memory_space<hbm>>, %arg3: memref<16x3x2048xf32, #tpu.memory_space<hbm>>, %arg4: memref<32x1024xf32, #tpu.memory_space<hbm>>, %arg5: memref<32x2048xf32, #tpu.memory_space<hbm>>, %arg6: memref<3x2048xf32, #tpu.memory_space<vmem>>, %arg7: memref<3x2048xf32, #tpu.memory_space<vmem>>, %arg8: memref<2048xf32, #tpu.memory_space<vmem>>, %arg9: memref<1024xf32, #tpu.memory_space<vmem>>, %arg10: memref<16x16xf32, #tpu.memory_space<vmem>>) attributes {dimension_semantics = [#tpu.dimension_semantics<core_parallel>, #tpu.dimension_semantics<subcore_parallel>], iteration_bounds = array<i64: 2, 16>, scalar_prefetch = 0 : i64, scratch_operands = 5 : i64, tpu.core_type = #tpu.core_type<sc_vector_subcore>, window_params = [{transform_indices = #map}, {transform_indices = #map}, {transform_indices = #map1}, {transform_indices = #map1}]} {
    %mul3A = arith.constant 2 : i32
    %mul3A_0 = arith.muli %arg1, %mul3A : i32
    %add3A = arith.addi %mul3A_0, %arg0 : i32
    %jit3A = arith.constant 2 : i32
    %div3A = arith.divsi %add3A, %jit3A : i32
    %sign3A = arith.constant 0 : i32
    %sign3A_1 = arith.cmpi sgt, %add3A, %sign3A : i32
    %sign3A_2 = arith.extui %sign3A_1 : i1 to i32
    %sign3A_3 = arith.constant 0 : i32
    %sign3A_4 = arith.cmpi slt, %add3A, %sign3A_3 : i32
    %sign3A_5 = arith.extui %sign3A_4 : i1 to i32
    %sign3A_6 = arith.subi %sign3A_2, %sign3A_5 : i32
    %sign3A_7 = arith.constant 0 : i32
    %sign3A_8 = arith.cmpi sgt, %jit3A, %sign3A_7 : i32
    %sign3A_9 = arith.extui %sign3A_8 : i1 to i32
    %sign3A_10 = arith.constant 0 : i32
    %sign3A_11 = arith.cmpi slt, %jit3A, %sign3A_10 : i32
    %sign3A_12 = arith.extui %sign3A_11 : i1 to i32
    %sign3A_13 = arith.subi %sign3A_9, %sign3A_12 : i32
    %ne3A = arith.cmpi ne, %sign3A_6, %sign3A_13 : i32
    %rem3A = arith.remsi %add3A, %jit3A : i32
    %ne3A_14 = arith.constant 0 : i32
    %ne3A_15 = arith.cmpi ne, %rem3A, %ne3A_14 : i32
    %and3A = arith.andi %ne3A, %ne3A_15 : i1
    %sub3A = arith.constant 1 : i32
    %sub3A_16 = arith.subi %div3A, %sub3A : i32
    %select_n3A = arith.select %and3A, %sub3A_16, %div3A : i32
    %jit3A_17 = arith.constant 2 : i32
    %eq3A = arith.constant 0 : i32
    %eq3A_18 = arith.cmpi eq, %jit3A_17, %eq3A : i32
    %jit3A_19 = arith.constant 1 : i32
    %select_n3A_20 = arith.select %eq3A_18, %jit3A_19, %jit3A_17 : i32
    %rem3A_21 = arith.remsi %add3A, %select_n3A_20 : i32
    %ne3A_22 = arith.constant 0 : i32
    %ne3A_23 = arith.cmpi ne, %rem3A_21, %ne3A_22 : i32
    %lt3A = arith.constant 0 : i32
    %lt3A_24 = arith.cmpi slt, %rem3A_21, %lt3A : i32
    %lt3A_25 = arith.constant 0 : i32
    %lt3A_26 = arith.cmpi slt, %select_n3A_20, %lt3A_25 : i32
    %ne3A_27 = arith.xori %lt3A_24, %lt3A_26 : i1
    %and3A_28 = arith.andi %ne3A_27, %ne3A_23 : i1
    %add3A_29 = arith.addi %rem3A_21, %select_n3A_20 : i32
    %select_n3A_30 = arith.select %and3A_28, %add3A_29, %rem3A_21 : i32
    "tpu.region"() ({
      %run_scoped3A = tpu.sem_alloc : memref<!tpu.dma_semaphore, #tpu.memory_space<semaphore_mem>>
      %dma_start3A = arith.constant 0 : i32
      %dma_start3A_47 = arith.constant 0 : i32
      %dma_start3A_48 = tpu.memref_slice %arg2[%select_n3A, %dma_start3A, %dma_start3A_47] : memref<16x3x2048xf32, #tpu.memory_space<hbm>> -> memref<1x3x2048xf32, #tpu.memory_space<hbm>>
      %dma_start3A_49 = tpu.memref_squeeze %dma_start3A_48 : memref<1x3x2048xf32, #tpu.memory_space<hbm>> -> memref<3x2048xf32, #tpu.memory_space<hbm>>
      %dma_start3A_50 = arith.constant 0 : i32
      %dma_start3A_51 = arith.constant 0 : i32
      %dma_start3A_52 = tpu.memref_slice %arg2[%select_n3A, %dma_start3A_50, %dma_start3A_51] : memref<16x3x2048xf32, #tpu.memory_space<hbm>> -> memref<1x3x2048xf32, #tpu.memory_space<hbm>>
      %dma_start3A_53 = tpu.memref_squeeze %dma_start3A_52 : memref<1x3x2048xf32, #tpu.memory_space<hbm>> -> memref<3x2048xf32, #tpu.memory_space<hbm>>
      tpu.enqueue_dma source(%dma_start3A_53 : memref<3x2048xf32, #tpu.memory_space<hbm>>) target(%arg6 : memref<3x2048xf32, #tpu.memory_space<vmem>>) target_semaphore(%run_scoped3A : memref<!tpu.dma_semaphore, #tpu.memory_space<semaphore_mem>>)
      %dma_wait3A = arith.constant 0 : i32
      %dma_wait3A_54 = arith.constant 0 : i32
      %dma_wait3A_55 = tpu.memref_slice %arg2[%select_n3A, %dma_wait3A, %dma_wait3A_54] : memref<16x3x2048xf32, #tpu.memory_space<hbm>> -> memref<1x3x2048xf32, #tpu.memory_space<hbm>>
      %dma_wait3A_56 = tpu.memref_squeeze %dma_wait3A_55 : memref<1x3x2048xf32, #tpu.memory_space<hbm>> -> memref<3x2048xf32, #tpu.memory_space<hbm>>
      %dma_wait3A_57 = arith.constant 0 : i32
      %dma_wait3A_58 = arith.constant 0 : i32
      %dma_wait3A_59 = tpu.memref_slice %arg2[%select_n3A, %dma_wait3A_57, %dma_wait3A_58] : memref<16x3x2048xf32, #tpu.memory_space<hbm>> -> memref<1x3x2048xf32, #tpu.memory_space<hbm>>
      %dma_wait3A_60 = tpu.memref_squeeze %dma_wait3A_59 : memref<1x3x2048xf32, #tpu.memory_space<hbm>> -> memref<3x2048xf32, #tpu.memory_space<hbm>>
      tpu.wait_dma2 semaphore(%run_scoped3A : memref<!tpu.dma_semaphore, #tpu.memory_space<semaphore_mem>>) src(%dma_wait3A_60 : memref<3x2048xf32, #tpu.memory_space<hbm>>) dst(%arg6 : memref<3x2048xf32, #tpu.memory_space<vmem>>)
      tpu.yield
    }) : () -> ()
    "tpu.region"() ({
      %run_scoped3A = tpu.sem_alloc : memref<!tpu.dma_semaphore, #tpu.memory_space<semaphore_mem>>
      %dma_start3A = arith.constant 0 : i32
      %dma_start3A_47 = arith.constant 0 : i32
      %dma_start3A_48 = tpu.memref_slice %arg3[%select_n3A, %dma_start3A, %dma_start3A_47] : memref<16x3x2048xf32, #tpu.memory_space<hbm>> -> memref<1x3x2048xf32, #tpu.memory_space<hbm>>
      %dma_start3A_49 = tpu.memref_squeeze %dma_start3A_48 : memref<1x3x2048xf32, #tpu.memory_space<hbm>> -> memref<3x2048xf32, #tpu.memory_space<hbm>>
      %dma_start3A_50 = arith.constant 0 : i32
      %dma_start3A_51 = arith.constant 0 : i32
      %dma_start3A_52 = tpu.memref_slice %arg3[%select_n3A, %dma_start3A_50, %dma_start3A_51] : memref<16x3x2048xf32, #tpu.memory_space<hbm>> -> memref<1x3x2048xf32, #tpu.memory_space<hbm>>
      %dma_start3A_53 = tpu.memref_squeeze %dma_start3A_52 : memref<1x3x2048xf32, #tpu.memory_space<hbm>> -> memref<3x2048xf32, #tpu.memory_space<hbm>>
      tpu.enqueue_dma source(%dma_start3A_53 : memref<3x2048xf32, #tpu.memory_space<hbm>>) target(%arg7 : memref<3x2048xf32, #tpu.memory_space<vmem>>) target_semaphore(%run_scoped3A : memref<!tpu.dma_semaphore, #tpu.memory_space<semaphore_mem>>)
      %dma_wait3A = arith.constant 0 : i32
      %dma_wait3A_54 = arith.constant 0 : i32
      %dma_wait3A_55 = tpu.memref_slice %arg3[%select_n3A, %dma_wait3A, %dma_wait3A_54] : memref<16x3x2048xf32, #tpu.memory_space<hbm>> -> memref<1x3x2048xf32, #tpu.memory_space<hbm>>
      %dma_wait3A_56 = tpu.memref_squeeze %dma_wait3A_55 : memref<1x3x2048xf32, #tpu.memory_space<hbm>> -> memref<3x2048xf32, #tpu.memory_space<hbm>>
      %dma_wait3A_57 = arith.constant 0 : i32
      %dma_wait3A_58 = arith.constant 0 : i32
      %dma_wait3A_59 = tpu.memref_slice %arg3[%select_n3A, %dma_wait3A_57, %dma_wait3A_58] : memref<16x3x2048xf32, #tpu.memory_space<hbm>> -> memref<1x3x2048xf32, #tpu.memory_space<hbm>>
      %dma_wait3A_60 = tpu.memref_squeeze %dma_wait3A_59 : memref<1x3x2048xf32, #tpu.memory_space<hbm>> -> memref<3x2048xf32, #tpu.memory_space<hbm>>
      tpu.wait_dma2 semaphore(%run_scoped3A : memref<!tpu.dma_semaphore, #tpu.memory_space<semaphore_mem>>) src(%dma_wait3A_60 : memref<3x2048xf32, #tpu.memory_space<hbm>>) dst(%arg7 : memref<3x2048xf32, #tpu.memory_space<vmem>>)
      tpu.yield
    }) : () -> ()
    %broadcast_in_dim3A = arith.constant 0x7F800000 : f32
    %broadcast_in_dim3A_31 = vector.broadcast %broadcast_in_dim3A : f32 to vector<16xf32>
    %scan3A = arith.constant 0 : i32
    %scan3A_32 = arith.constant 0 : i32
    %scan3A_33 = arith.constant 128 : i32
    %scan3A_34 = arith.addi %scan3A_32, %scan3A_33 : i32
    %scan3A_35 = arith.constant 1 : i32
    %scan3A_36 = scf.for %scan3A_47 = %scan3A_32 to %scan3A_34 step %scan3A_35 iter_args(%scan3A_48 = %scan3A) -> (i32)  : i32 {
      %mul3A_49 = arith.constant 16 : i32
      %mul3A_50 = arith.muli %scan3A_47, %mul3A_49 : i32
      %swap3A = arith.index_cast %mul3A_50 : i32 to index
      %swap3A_51 = tpu.vector_load %arg8[%swap3A] {strides = array<i32>} : memref<2048xf32, #tpu.memory_space<vmem>>, vector<16xf32>,
      tpu.vector_store %arg8[%swap3A], %broadcast_in_dim3A_31 {strides = array<i32>} : memref<2048xf32, #tpu.memory_space<vmem>>, vector<16xf32>,
      %scan3A_52 = arith.constant 0 : i32
      scf.yield %scan3A_52 : i32
    }
    %scan3A_37 = arith.constant 128 : i32
    %mul3A_38 = arith.constant 1024 : i32
    %mul3A_39 = arith.muli %select_n3A_30, %mul3A_38 : i32
    %iota3A = tpu.iota {dimensions = array<i32: 0>} : vector<16xi32>
    %scan3A_40 = arith.constant 0 : i32
    %scan3A_41 = arith.constant 0 : i32
    %scan3A_42 = arith.constant 64 : i32
    %scan3A_43 = arith.addi %scan3A_41, %scan3A_42 : i32
    %scan3A_44 = arith.constant 1 : i32
    %scan3A_45 = scf.for %scan3A_47 = %scan3A_41 to %scan3A_43 step %scan3A_44 iter_args(%scan3A_48 = %scan3A_40) -> (i32)  : i32 {
      %mul3A_49 = arith.constant 16 : i32
      %mul3A_50 = arith.muli %scan3A_47, %mul3A_49 : i32
      %add3A_51 = arith.addi %mul3A_39, %mul3A_50 : i32
      %get3A = arith.constant 0 : i32
      %get3A_52 = arith.index_cast %get3A : i32 to index
      %get3A_53 = arith.index_cast %add3A_51 : i32 to index
      %get3A_54 = tpu.vector_load %arg6[%get3A_52, %get3A_53] {strides = array<i32>} : memref<3x2048xf32, #tpu.memory_space<vmem>>, vector<16xf32>,
      %get3A_55 = arith.constant 1 : i32
      %get3A_56 = arith.index_cast %get3A_55 : i32 to index
      %get3A_57 = arith.index_cast %add3A_51 : i32 to index
      %get3A_58 = tpu.vector_load %arg6[%get3A_56, %get3A_57] {strides = array<i32>} : memref<3x2048xf32, #tpu.memory_space<vmem>>, vector<16xf32>,
      %get3A_59 = arith.constant 2 : i32
      %get3A_60 = arith.index_cast %get3A_59 : i32 to index
      %get3A_61 = arith.index_cast %add3A_51 : i32 to index
      %get3A_62 = tpu.vector_load %arg6[%get3A_60, %get3A_61] {strides = array<i32>} : memref<3x2048xf32, #tpu.memory_space<vmem>>, vector<16xf32>,
      %slice3A = vector.extract_strided_slice %get3A_54 {offsets = [0], sizes = [1], strides = [1]} : vector<16xf32> to vector<1xf32>
      %squeeze3A = vector.extract %slice3A[0] : f32 from vector<1xf32>
      %broadcast_in_dim3A_63 = vector.broadcast %squeeze3A : f32 to vector<16xf32>
      %slice3A_64 = vector.extract_strided_slice %get3A_58 {offsets = [0], sizes = [1], strides = [1]} : vector<16xf32> to vector<1xf32>
      %squeeze3A_65 = vector.extract %slice3A_64[0] : f32 from vector<1xf32>
      %broadcast_in_dim3A_66 = vector.broadcast %squeeze3A_65 : f32 to vector<16xf32>
      %slice3A_67 = vector.extract_strided_slice %get3A_62 {offsets = [0], sizes = [1], strides = [1]} : vector<16xf32> to vector<1xf32>
      %squeeze3A_68 = vector.extract %slice3A_67[0] : f32 from vector<1xf32>
      %broadcast_in_dim3A_69 = vector.broadcast %squeeze3A_68 : f32 to vector<16xf32>
      %slice3A_70 = vector.extract_strided_slice %get3A_54 {offsets = [1], sizes = [1], strides = [1]} : vector<16xf32> to vector<1xf32>
      %squeeze3A_71 = vector.extract %slice3A_70[0] : f32 from vector<1xf32>
      %broadcast_in_dim3A_72 = vector.broadcast %squeeze3A_71 : f32 to vector<16xf32>
      %slice3A_73 = vector.extract_strided_slice %get3A_58 {offsets = [1], sizes = [1], strides = [1]} : vector<16xf32> to vector<1xf32>
      %squeeze3A_74 = vector.extract %slice3A_73[0] : f32 from vector<1xf32>
      %broadcast_in_dim3A_75 = vector.broadcast %squeeze3A_74 : f32 to vector<16xf32>
      %slice3A_76 = vector.extract_strided_slice %get3A_62 {offsets = [1], sizes = [1], strides = [1]} : vector<16xf32> to vector<1xf32>
      %squeeze3A_77 = vector.extract %slice3A_76[0] : f32 from vector<1xf32>
      %broadcast_in_dim3A_78 = vector.broadcast %squeeze3A_77 : f32 to vector<16xf32>
      %slice3A_79 = vector.extract_strided_slice %get3A_54 {offsets = [2], sizes = [1], strides = [1]} : vector<16xf32> to vector<1xf32>
      %squeeze3A_80 = vector.extract %slice3A_79[0] : f32 from vector<1xf32>
      %broadcast_in_dim3A_81 = vector.broadcast %squeeze3A_80 : f32 to vector<16xf32>
      %slice3A_82 = vector.extract_strided_slice %get3A_58 {offsets = [2], sizes = [1], strides = [1]} : vector<16xf32> to vector<1xf32>
      %squeeze3A_83 = vector.extract %slice3A_82[0] : f32 from vector<1xf32>
      %broadcast_in_dim3A_84 = vector.broadcast %squeeze3A_83 : f32 to vector<16xf32>
      %slice3A_85 = vector.extract_strided_slice %get3A_62 {offsets = [2], sizes = [1], strides = [1]} : vector<16xf32> to vector<1xf32>
      %squeeze3A_86 = vector.extract %slice3A_85[0] : f32 from vector<1xf32>
      %broadcast_in_dim3A_87 = vector.broadcast %squeeze3A_86 : f32 to vector<16xf32>
      %slice3A_88 = vector.extract_strided_slice %get3A_54 {offsets = [3], sizes = [1], strides = [1]} : vector<16xf32> to vector<1xf32>
      %squeeze3A_89 = vector.extract %slice3A_88[0] : f32 from vector<1xf32>
      %broadcast_in_dim3A_90 = vector.broadcast %squeeze3A_89 : f32 to vector<16xf32>
      %slice3A_91 = vector.extract_strided_slice %get3A_58 {offsets = [3], sizes = [1], strides = [1]} : vector<16xf32> to vector<1xf32>
      %squeeze3A_92 = vector.extract %slice3A_91[0] : f32 from vector<1xf32>
      %broadcast_in_dim3A_93 = vector.broadcast %squeeze3A_92 : f32 to vector<16xf32>
      %slice3A_94 = vector.extract_strided_slice %get3A_62 {offsets = [3], sizes = [1], strides = [1]} : vector<16xf32> to vector<1xf32>
      %squeeze3A_95 = vector.extract %slice3A_94[0] : f32 from vector<1xf32>
      %broadcast_in_dim3A_96 = vector.broadcast %squeeze3A_95 : f32 to vector<16xf32>
      %slice3A_97 = vector.extract_strided_slice %get3A_54 {offsets = [4], sizes = [1], strides = [1]} : vector<16xf32> to vector<1xf32>
      %squeeze3A_98 = vector.extract %slice3A_97[0] : f32 from vector<1xf32>
      %broadcast_in_dim3A_99 = vector.broadcast %squeeze3A_98 : f32 to vector<16xf32>
      %slice3A_100 = vector.extract_strided_slice %get3A_58 {offsets = [4], sizes = [1], strides = [1]} : vector<16xf32> to vector<1xf32>
      %squeeze3A_101 = vector.extract %slice3A_100[0] : f32 from vector<1xf32>
      %broadcast_in_dim3A_102 = vector.broadcast %squeeze3A_101 : f32 to vector<16xf32>
      %slice3A_103 = vector.extract_strided_slice %get3A_62 {offsets = [4], sizes = [1], strides = [1]} : vector<16xf32> to vector<1xf32>
      %squeeze3A_104 = vector.extract %slice3A_103[0] : f32 from vector<1xf32>
      %broadcast_in_dim3A_105 = vector.broadcast %squeeze3A_104 : f32 to vector<16xf32>
      %slice3A_106 = vector.extract_strided_slice %get3A_54 {offsets = [5], sizes = [1], strides = [1]} : vector<16xf32> to vector<1xf32>
      %squeeze3A_107 = vector.extract %slice3A_106[0] : f32 from vector<1xf32>
      %broadcast_in_dim3A_108 = vector.broadcast %squeeze3A_107 : f32 to vector<16xf32>
      %slice3A_109 = vector.extract_strided_slice %get3A_58 {offsets = [5], sizes = [1], strides = [1]} : vector<16xf32> to vector<1xf32>
      %squeeze3A_110 = vector.extract %slice3A_109[0] : f32 from vector<1xf32>
      %broadcast_in_dim3A_111 = vector.broadcast %squeeze3A_110 : f32 to vector<16xf32>
      %slice3A_112 = vector.extract_strided_slice %get3A_62 {offsets = [5], sizes = [1], strides = [1]} : vector<16xf32> to vector<1xf32>
      %squeeze3A_113 = vector.extract %slice3A_112[0] : f32 from vector<1xf32>
      %broadcast_in_dim3A_114 = vector.broadcast %squeeze3A_113 : f32 to vector<16xf32>
      %slice3A_115 = vector.extract_strided_slice %get3A_54 {offsets = [6], sizes = [1], strides = [1]} : vector<16xf32> to vector<1xf32>
      %squeeze3A_116 = vector.extract %slice3A_115[0] : f32 from vector<1xf32>
      %broadcast_in_dim3A_117 = vector.broadcast %squeeze3A_116 : f32 to vector<16xf32>
      %slice3A_118 = vector.extract_strided_slice %get3A_58 {offsets = [6], sizes = [1], strides = [1]} : vector<16xf32> to vector<1xf32>
      %squeeze3A_119 = vector.extract %slice3A_118[0] : f32 from vector<1xf32>
      %broadcast_in_dim3A_120 = vector.broadcast %squeeze3A_119 : f32 to vector<16xf32>
      %slice3A_121 = vector.extract_strided_slice %get3A_62 {offsets = [6], sizes = [1], strides = [1]} : vector<16xf32> to vector<1xf32>
      %squeeze3A_122 = vector.extract %slice3A_121[0] : f32 from vector<1xf32>
      %broadcast_in_dim3A_123 = vector.broadcast %squeeze3A_122 : f32 to vector<16xf32>
      %slice3A_124 = vector.extract_strided_slice %get3A_54 {offsets = [7], sizes = [1], strides = [1]} : vector<16xf32> to vector<1xf32>
      %squeeze3A_125 = vector.extract %slice3A_124[0] : f32 from vector<1xf32>
      %broadcast_in_dim3A_126 = vector.broadcast %squeeze3A_125 : f32 to vector<16xf32>
      %slice3A_127 = vector.extract_strided_slice %get3A_58 {offsets = [7], sizes = [1], strides = [1]} : vector<16xf32> to vector<1xf32>
      %squeeze3A_128 = vector.extract %slice3A_127[0] : f32 from vector<1xf32>
      %broadcast_in_dim3A_129 = vector.broadcast %squeeze3A_128 : f32 to vector<16xf32>
      %slice3A_130 = vector.extract_strided_slice %get3A_62 {offsets = [7], sizes = [1], strides = [1]} : vector<16xf32> to vector<1xf32>
      %squeeze3A_131 = vector.extract %slice3A_130[0] : f32 from vector<1xf32>
      %broadcast_in_dim3A_132 = vector.broadcast %squeeze3A_131 : f32 to vector<16xf32>
      %scan3A_133 = arith.constant 0 : i32
      %scan3A_134 = arith.constant 128 : i32
      %scan3A_135 = arith.addi %scan3A_133, %scan3A_134 : i32
      %scan3A_136 = arith.constant 1 : i32
      %scan3A_137:8 = scf.for %scan3A_346 = %scan3A_133 to %scan3A_135 step %scan3A_136 iter_args(%scan3A_347 = %broadcast_in_dim3A_31, %scan3A_348 = %broadcast_in_dim3A_31, %scan3A_349 = %broadcast_in_dim3A_31, %scan3A_350 = %broadcast_in_dim3A_31, %scan3A_351 = %broadcast_in_dim3A_31, %scan3A_352 = %broadcast_in_dim3A_31, %scan3A_353 = %broadcast_in_dim3A_31, %scan3A_354 = %broadcast_in_dim3A_31) -> (vector<16xf32>, vector<16xf32>, vector<16xf32>, vector<16xf32>, vector<16xf32>, vector<16xf32>, vector<16xf32>, vector<16xf32>)  : i32 {
        %mul3A_355 = arith.constant 16 : i32
        %mul3A_356 = arith.muli %scan3A_346, %mul3A_355 : i32
        %get3A_357 = arith.constant 0 : i32
        %get3A_358 = arith.index_cast %get3A_357 : i32 to index
        %get3A_359 = arith.index_cast %mul3A_356 : i32 to index
        %get3A_360 = tpu.vector_load %arg7[%get3A_358, %get3A_359] {strides = array<i32>} : memref<3x2048xf32, #tpu.memory_space<vmem>>, vector<16xf32>,
        %mul3A_361 = arith.constant 16 : i32
        %mul3A_362 = arith.muli %scan3A_346, %mul3A_361 : i32
        %get3A_363 = arith.constant 1 : i32
        %get3A_364 = arith.index_cast %get3A_363 : i32 to index
        %get3A_365 = arith.index_cast %mul3A_362 : i32 to index
        %get3A_366 = tpu.vector_load %arg7[%get3A_364, %get3A_365] {strides = array<i32>} : memref<3x2048xf32, #tpu.memory_space<vmem>>, vector<16xf32>,
        %mul3A_367 = arith.constant 16 : i32
        %mul3A_368 = arith.muli %scan3A_346, %mul3A_367 : i32
        %get3A_369 = arith.constant 2 : i32
        %get3A_370 = arith.index_cast %get3A_369 : i32 to index
        %get3A_371 = arith.index_cast %mul3A_368 : i32 to index
        %get3A_372 = tpu.vector_load %arg7[%get3A_370, %get3A_371] {strides = array<i32>} : memref<3x2048xf32, #tpu.memory_space<vmem>>, vector<16xf32>,
        %mul3A_373 = arith.constant 16 : i32
        %mul3A_374 = arith.muli %scan3A_346, %mul3A_373 : i32
        %get3A_375 = arith.index_cast %mul3A_374 : i32 to index
        %get3A_376 = tpu.vector_load %arg8[%get3A_375] {strides = array<i32>} : memref<2048xf32, #tpu.memory_space<vmem>>, vector<16xf32>,
        %sub3A_377 = arith.subf %get3A_360, %broadcast_in_dim3A_63 : vector<16xf32>
        %sub3A_378 = arith.subf %get3A_366, %broadcast_in_dim3A_66 : vector<16xf32>
        %sub3A_379 = arith.subf %get3A_372, %broadcast_in_dim3A_69 : vector<16xf32>
        %mul3A_380 = arith.mulf %sub3A_377, %sub3A_377 : vector<16xf32>
        %mul3A_381 = arith.mulf %sub3A_378, %sub3A_378 : vector<16xf32>
        %add3A_382 = arith.addf %mul3A_380, %mul3A_381 : vector<16xf32>
        %mul3A_383 = arith.mulf %sub3A_379, %sub3A_379 : vector<16xf32>
        %add3A_384 = arith.addf %add3A_382, %mul3A_383 : vector<16xf32>
        %min3A_385 = arith.minimumf %scan3A_347, %add3A_384 : vector<16xf32>
        %min3A_386 = arith.minimumf %get3A_376, %add3A_384 : vector<16xf32>
        %sub3A_387 = arith.subf %get3A_360, %broadcast_in_dim3A_72 : vector<16xf32>
        %sub3A_388 = arith.subf %get3A_366, %broadcast_in_dim3A_75 : vector<16xf32>
        %sub3A_389 = arith.subf %get3A_372, %broadcast_in_dim3A_78 : vector<16xf32>
        %mul3A_390 = arith.mulf %sub3A_387, %sub3A_387 : vector<16xf32>
        %mul3A_391 = arith.mulf %sub3A_388, %sub3A_388 : vector<16xf32>
        %add3A_392 = arith.addf %mul3A_390, %mul3A_391 : vector<16xf32>
        %mul3A_393 = arith.mulf %sub3A_389, %sub3A_389 : vector<16xf32>
        %add3A_394 = arith.addf %add3A_392, %mul3A_393 : vector<16xf32>
        %min3A_395 = arith.minimumf %scan3A_348, %add3A_394 : vector<16xf32>
        %min3A_396 = arith.minimumf %min3A_386, %add3A_394 : vector<16xf32>
        %sub3A_397 = arith.subf %get3A_360, %broadcast_in_dim3A_81 : vector<16xf32>
        %sub3A_398 = arith.subf %get3A_366, %broadcast_in_dim3A_84 : vector<16xf32>
        %sub3A_399 = arith.subf %get3A_372, %broadcast_in_dim3A_87 : vector<16xf32>
        %mul3A_400 = arith.mulf %sub3A_397, %sub3A_397 : vector<16xf32>
        %mul3A_401 = arith.mulf %sub3A_398, %sub3A_398 : vector<16xf32>
        %add3A_402 = arith.addf %mul3A_400, %mul3A_401 : vector<16xf32>
        %mul3A_403 = arith.mulf %sub3A_399, %sub3A_399 : vector<16xf32>
        %add3A_404 = arith.addf %add3A_402, %mul3A_403 : vector<16xf32>
        %min3A_405 = arith.minimumf %scan3A_349, %add3A_404 : vector<16xf32>
        %min3A_406 = arith.minimumf %min3A_396, %add3A_404 : vector<16xf32>
        %sub3A_407 = arith.subf %get3A_360, %broadcast_in_dim3A_90 : vector<16xf32>
        %sub3A_408 = arith.subf %get3A_366, %broadcast_in_dim3A_93 : vector<16xf32>
        %sub3A_409 = arith.subf %get3A_372, %broadcast_in_dim3A_96 : vector<16xf32>
        %mul3A_410 = arith.mulf %sub3A_407, %sub3A_407 : vector<16xf32>
        %mul3A_411 = arith.mulf %sub3A_408, %sub3A_408 : vector<16xf32>
        %add3A_412 = arith.addf %mul3A_410, %mul3A_411 : vector<16xf32>
        %mul3A_413 = arith.mulf %sub3A_409, %sub3A_409 : vector<16xf32>
        %add3A_414 = arith.addf %add3A_412, %mul3A_413 : vector<16xf32>
        %min3A_415 = arith.minimumf %scan3A_350, %add3A_414 : vector<16xf32>
        %min3A_416 = arith.minimumf %min3A_406, %add3A_414 : vector<16xf32>
        %sub3A_417 = arith.subf %get3A_360, %broadcast_in_dim3A_99 : vector<16xf32>
        %sub3A_418 = arith.subf %get3A_366, %broadcast_in_dim3A_102 : vector<16xf32>
        %sub3A_419 = arith.subf %get3A_372, %broadcast_in_dim3A_105 : vector<16xf32>
        %mul3A_420 = arith.mulf %sub3A_417, %sub3A_417 : vector<16xf32>
        %mul3A_421 = arith.mulf %sub3A_418, %sub3A_418 : vector<16xf32>
        %add3A_422 = arith.addf %mul3A_420, %mul3A_421 : vector<16xf32>
        %mul3A_423 = arith.mulf %sub3A_419, %sub3A_419 : vector<16xf32>
        %add3A_424 = arith.addf %add3A_422, %mul3A_423 : vector<16xf32>
        %min3A_425 = arith.minimumf %scan3A_351, %add3A_424 : vector<16xf32>
        %min3A_426 = arith.minimumf %min3A_416, %add3A_424 : vector<16xf32>
        %sub3A_427 = arith.subf %get3A_360, %broadcast_in_dim3A_108 : vector<16xf32>
        %sub3A_428 = arith.subf %get3A_366, %broadcast_in_dim3A_111 : vector<16xf32>
        %sub3A_429 = arith.subf %get3A_372, %broadcast_in_dim3A_114 : vector<16xf32>
        %mul3A_430 = arith.mulf %sub3A_427, %sub3A_427 : vector<16xf32>
        %mul3A_431 = arith.mulf %sub3A_428, %sub3A_428 : vector<16xf32>
        %add3A_432 = arith.addf %mul3A_430, %mul3A_431 : vector<16xf32>
        %mul3A_433 = arith.mulf %sub3A_429, %sub3A_429 : vector<16xf32>
        %add3A_434 = arith.addf %add3A_432, %mul3A_433 : vector<16xf32>
        %min3A_435 = arith.minimumf %scan3A_352, %add3A_434 : vector<16xf32>
        %min3A_436 = arith.minimumf %min3A_426, %add3A_434 : vector<16xf32>
        %sub3A_437 = arith.subf %get3A_360, %broadcast_in_dim3A_117 : vector<16xf32>
        %sub3A_438 = arith.subf %get3A_366, %broadcast_in_dim3A_120 : vector<16xf32>
        %sub3A_439 = arith.subf %get3A_372, %broadcast_in_dim3A_123 : vector<16xf32>
        %mul3A_440 = arith.mulf %sub3A_437, %sub3A_437 : vector<16xf32>
        %mul3A_441 = arith.mulf %sub3A_438, %sub3A_438 : vector<16xf32>
        %add3A_442 = arith.addf %mul3A_440, %mul3A_441 : vector<16xf32>
        %mul3A_443 = arith.mulf %sub3A_439, %sub3A_439 : vector<16xf32>
        %add3A_444 = arith.addf %add3A_442, %mul3A_443 : vector<16xf32>
        %min3A_445 = arith.minimumf %scan3A_353, %add3A_444 : vector<16xf32>
        %min3A_446 = arith.minimumf %min3A_436, %add3A_444 : vector<16xf32>
        %sub3A_447 = arith.subf %get3A_360, %broadcast_in_dim3A_126 : vector<16xf32>
        %sub3A_448 = arith.subf %get3A_366, %broadcast_in_dim3A_129 : vector<16xf32>
        %sub3A_449 = arith.subf %get3A_372, %broadcast_in_dim3A_132 : vector<16xf32>
        %mul3A_450 = arith.mulf %sub3A_447, %sub3A_447 : vector<16xf32>
        %mul3A_451 = arith.mulf %sub3A_448, %sub3A_448 : vector<16xf32>
        %add3A_452 = arith.addf %mul3A_450, %mul3A_451 : vector<16xf32>
        %mul3A_453 = arith.mulf %sub3A_449, %sub3A_449 : vector<16xf32>
        %add3A_454 = arith.addf %add3A_452, %mul3A_453 : vector<16xf32>
        %min3A_455 = arith.minimumf %scan3A_354, %add3A_454 : vector<16xf32>
        %min3A_456 = arith.minimumf %min3A_446, %add3A_454 : vector<16xf32>
        %mul3A_457 = arith.constant 16 : i32
        %mul3A_458 = arith.muli %scan3A_346, %mul3A_457 : i32
        %swap3A_459 = arith.index_cast %mul3A_458 : i32 to index
        %swap3A_460 = tpu.vector_load %arg8[%swap3A_459] {strides = array<i32>} : memref<2048xf32, #tpu.memory_space<vmem>>, vector<16xf32>,
        tpu.vector_store %arg8[%swap3A_459], %min3A_456 {strides = array<i32>} : memref<2048xf32, #tpu.memory_space<vmem>>, vector<16xf32>,
        scf.yield %min3A_385, %min3A_395, %min3A_405, %min3A_415, %min3A_425, %min3A_435, %min3A_445, %min3A_455 : vector<16xf32>, vector<16xf32>, vector<16xf32>, vector<16xf32>, vector<16xf32>, vector<16xf32>, vector<16xf32>, vector<16xf32>
      }
      %scan3A_138 = arith.constant 128 : i32
      %swap3A = arith.constant 0 : i32
      %swap3A_139 = arith.index_cast %swap3A : i32 to index
      %swap3A_140 = arith.constant 0 : index
      %swap3A_141 = tpu.vector_load %arg10[%swap3A_139, %swap3A_140] {strides = array<i32>} : memref<16x16xf32, #tpu.memory_space<vmem>>, vector<16xf32>,
      tpu.vector_store %arg10[%swap3A_139, %swap3A_140], %scan3A_137#0 {strides = array<i32>} : memref<16x16xf32, #tpu.memory_space<vmem>>, vector<16xf32>,
      %swap3A_142 = arith.constant 1 : i32
      %swap3A_143 = arith.index_cast %swap3A_142 : i32 to index
      %swap3A_144 = arith.constant 0 : index
      %swap3A_145 = tpu.vector_load %arg10[%swap3A_143, %swap3A_144] {strides = array<i32>} : memref<16x16xf32, #tpu.memory_space<vmem>>, vector<16xf32>,
      tpu.vector_store %arg10[%swap3A_143, %swap3A_144], %scan3A_137#1 {strides = array<i32>} : memref<16x16xf32, #tpu.memory_space<vmem>>, vector<16xf32>,
      %swap3A_146 = arith.constant 2 : i32
      %swap3A_147 = arith.index_cast %swap3A_146 : i32 to index
      %swap3A_148 = arith.constant 0 : index
      %swap3A_149 = tpu.vector_load %arg10[%swap3A_147, %swap3A_148] {strides = array<i32>} : memref<16x16xf32, #tpu.memory_space<vmem>>, vector<16xf32>,
      tpu.vector_store %arg10[%swap3A_147, %swap3A_148], %scan3A_137#2 {strides = array<i32>} : memref<16x16xf32, #tpu.memory_space<vmem>>, vector<16xf32>,
      %swap3A_150 = arith.constant 3 : i32
      %swap3A_151 = arith.index_cast %swap3A_150 : i32 to index
      %swap3A_152 = arith.constant 0 : index
      %swap3A_153 = tpu.vector_load %arg10[%swap3A_151, %swap3A_152] {strides = array<i32>} : memref<16x16xf32, #tpu.memory_space<vmem>>, vector<16xf32>,
      tpu.vector_store %arg10[%swap3A_151, %swap3A_152], %scan3A_137#3 {strides = array<i32>} : memref<16x16xf32, #tpu.memory_space<vmem>>, vector<16xf32>,
      %swap3A_154 = arith.constant 4 : i32
      %swap3A_155 = arith.index_cast %swap3A_154 : i32 to index
      %swap3A_156 = arith.constant 0 : index
      %swap3A_157 = tpu.vector_load %arg10[%swap3A_155, %swap3A_156] {strides = array<i32>} : memref<16x16xf32, #tpu.memory_space<vmem>>, vector<16xf32>,
      tpu.vector_store %arg10[%swap3A_155, %swap3A_156], %scan3A_137#4 {strides = array<i32>} : memref<16x16xf32, #tpu.memory_space<vmem>>, vector<16xf32>,
      %swap3A_158 = arith.constant 5 : i32
      %swap3A_159 = arith.index_cast %swap3A_158 : i32 to index
      %swap3A_160 = arith.constant 0 : index
      %swap3A_161 = tpu.vector_load %arg10[%swap3A_159, %swap3A_160] {strides = array<i32>} : memref<16x16xf32, #tpu.memory_space<vmem>>, vector<16xf32>,
      tpu.vector_store %arg10[%swap3A_159, %swap3A_160], %scan3A_137#5 {strides = array<i32>} : memref<16x16xf32, #tpu.memory_space<vmem>>, vector<16xf32>,
      %swap3A_162 = arith.constant 6 : i32
      %swap3A_163 = arith.index_cast %swap3A_162 : i32 to index
      %swap3A_164 = arith.constant 0 : index
      %swap3A_165 = tpu.vector_load %arg10[%swap3A_163, %swap3A_164] {strides = array<i32>} : memref<16x16xf32, #tpu.memory_space<vmem>>, vector<16xf32>,
      tpu.vector_store %arg10[%swap3A_163, %swap3A_164], %scan3A_137#6 {strides = array<i32>} : memref<16x16xf32, #tpu.memory_space<vmem>>, vector<16xf32>,
      %swap3A_166 = arith.constant 7 : i32
      %swap3A_167 = arith.index_cast %swap3A_166 : i32 to index
      %swap3A_168 = arith.constant 0 : index
      %swap3A_169 = tpu.vector_load %arg10[%swap3A_167, %swap3A_168] {strides = array<i32>} : memref<16x16xf32, #tpu.memory_space<vmem>>, vector<16xf32>,
      tpu.vector_store %arg10[%swap3A_167, %swap3A_168], %scan3A_137#7 {strides = array<i32>} : memref<16x16xf32, #tpu.memory_space<vmem>>, vector<16xf32>,
      %slice3A_170 = vector.extract_strided_slice %get3A_54 {offsets = [8], sizes = [1], strides = [1]} : vector<16xf32> to vector<1xf32>
      %squeeze3A_171 = vector.extract %slice3A_170[0] : f32 from vector<1xf32>
      %broadcast_in_dim3A_172 = vector.broadcast %squeeze3A_171 : f32 to vector<16xf32>
      %slice3A_173 = vector.extract_strided_slice %get3A_58 {offsets = [8], sizes = [1], strides = [1]} : vector<16xf32> to vector<1xf32>
      %squeeze3A_174 = vector.extract %slice3A_173[0] : f32 from vector<1xf32>
      %broadcast_in_dim3A_175 = vector.broadcast %squeeze3A_174 : f32 to vector<16xf32>
      %slice3A_176 = vector.extract_strided_slice %get3A_62 {offsets = [8], sizes = [1], strides = [1]} : vector<16xf32> to vector<1xf32>
      %squeeze3A_177 = vector.extract %slice3A_176[0] : f32 from vector<1xf32>
      %broadcast_in_dim3A_178 = vector.broadcast %squeeze3A_177 : f32 to vector<16xf32>
      %slice3A_179 = vector.extract_strided_slice %get3A_54 {offsets = [9], sizes = [1], strides = [1]} : vector<16xf32> to vector<1xf32>
      %squeeze3A_180 = vector.extract %slice3A_179[0] : f32 from vector<1xf32>
      %broadcast_in_dim3A_181 = vector.broadcast %squeeze3A_180 : f32 to vector<16xf32>
      %slice3A_182 = vector.extract_strided_slice %get3A_58 {offsets = [9], sizes = [1], strides = [1]} : vector<16xf32> to vector<1xf32>
      %squeeze3A_183 = vector.extract %slice3A_182[0] : f32 from vector<1xf32>
      %broadcast_in_dim3A_184 = vector.broadcast %squeeze3A_183 : f32 to vector<16xf32>
      %slice3A_185 = vector.extract_strided_slice %get3A_62 {offsets = [9], sizes = [1], strides = [1]} : vector<16xf32> to vector<1xf32>
      %squeeze3A_186 = vector.extract %slice3A_185[0] : f32 from vector<1xf32>
      %broadcast_in_dim3A_187 = vector.broadcast %squeeze3A_186 : f32 to vector<16xf32>
      %slice3A_188 = vector.extract_strided_slice %get3A_54 {offsets = [10], sizes = [1], strides = [1]} : vector<16xf32> to vector<1xf32>
      %squeeze3A_189 = vector.extract %slice3A_188[0] : f32 from vector<1xf32>
      %broadcast_in_dim3A_190 = vector.broadcast %squeeze3A_189 : f32 to vector<16xf32>
      %slice3A_191 = vector.extract_strided_slice %get3A_58 {offsets = [10], sizes = [1], strides = [1]} : vector<16xf32> to vector<1xf32>
      %squeeze3A_192 = vector.extract %slice3A_191[0] : f32 from vector<1xf32>
      %broadcast_in_dim3A_193 = vector.broadcast %squeeze3A_192 : f32 to vector<16xf32>
      %slice3A_194 = vector.extract_strided_slice %get3A_62 {offsets = [10], sizes = [1], strides = [1]} : vector<16xf32> to vector<1xf32>
      %squeeze3A_195 = vector.extract %slice3A_194[0] : f32 from vector<1xf32>
      %broadcast_in_dim3A_196 = vector.broadcast %squeeze3A_195 : f32 to vector<16xf32>
      %slice3A_197 = vector.extract_strided_slice %get3A_54 {offsets = [11], sizes = [1], strides = [1]} : vector<16xf32> to vector<1xf32>
      %squeeze3A_198 = vector.extract %slice3A_197[0] : f32 from vector<1xf32>
      %broadcast_in_dim3A_199 = vector.broadcast %squeeze3A_198 : f32 to vector<16xf32>
      %slice3A_200 = vector.extract_strided_slice %get3A_58 {offsets = [11], sizes = [1], strides = [1]} : vector<16xf32> to vector<1xf32>
      %squeeze3A_201 = vector.extract %slice3A_200[0] : f32 from vector<1xf32>
      %broadcast_in_dim3A_202 = vector.broadcast %squeeze3A_201 : f32 to vector<16xf32>
      %slice3A_203 = vector.extract_strided_slice %get3A_62 {offsets = [11], sizes = [1], strides = [1]} : vector<16xf32> to vector<1xf32>
      %squeeze3A_204 = vector.extract %slice3A_203[0] : f32 from vector<1xf32>
      %broadcast_in_dim3A_205 = vector.broadcast %squeeze3A_204 : f32 to vector<16xf32>
      %slice3A_206 = vector.extract_strided_slice %get3A_54 {offsets = [12], sizes = [1], strides = [1]} : vector<16xf32> to vector<1xf32>
      %squeeze3A_207 = vector.extract %slice3A_206[0] : f32 from vector<1xf32>
      %broadcast_in_dim3A_208 = vector.broadcast %squeeze3A_207 : f32 to vector<16xf32>
      %slice3A_209 = vector.extract_strided_slice %get3A_58 {offsets = [12], sizes = [1], strides = [1]} : vector<16xf32> to vector<1xf32>
      %squeeze3A_210 = vector.extract %slice3A_209[0] : f32 from vector<1xf32>
      %broadcast_in_dim3A_211 = vector.broadcast %squeeze3A_210 : f32 to vector<16xf32>
      %slice3A_212 = vector.extract_strided_slice %get3A_62 {offsets = [12], sizes = [1], strides = [1]} : vector<16xf32> to vector<1xf32>
      %squeeze3A_213 = vector.extract %slice3A_212[0] : f32 from vector<1xf32>
      %broadcast_in_dim3A_214 = vector.broadcast %squeeze3A_213 : f32 to vector<16xf32>
      %slice3A_215 = vector.extract_strided_slice %get3A_54 {offsets = [13], sizes = [1], strides = [1]} : vector<16xf32> to vector<1xf32>
      %squeeze3A_216 = vector.extract %slice3A_215[0] : f32 from vector<1xf32>
      %broadcast_in_dim3A_217 = vector.broadcast %squeeze3A_216 : f32 to vector<16xf32>
      %slice3A_218 = vector.extract_strided_slice %get3A_58 {offsets = [13], sizes = [1], strides = [1]} : vector<16xf32> to vector<1xf32>
      %squeeze3A_219 = vector.extract %slice3A_218[0] : f32 from vector<1xf32>
      %broadcast_in_dim3A_220 = vector.broadcast %squeeze3A_219 : f32 to vector<16xf32>
      %slice3A_221 = vector.extract_strided_slice %get3A_62 {offsets = [13], sizes = [1], strides = [1]} : vector<16xf32> to vector<1xf32>
      %squeeze3A_222 = vector.extract %slice3A_221[0] : f32 from vector<1xf32>
      %broadcast_in_dim3A_223 = vector.broadcast %squeeze3A_222 : f32 to vector<16xf32>
      %slice3A_224 = vector.extract_strided_slice %get3A_54 {offsets = [14], sizes = [1], strides = [1]} : vector<16xf32> to vector<1xf32>
      %squeeze3A_225 = vector.extract %slice3A_224[0] : f32 from vector<1xf32>
      %broadcast_in_dim3A_226 = vector.broadcast %squeeze3A_225 : f32 to vector<16xf32>
      %slice3A_227 = vector.extract_strided_slice %get3A_58 {offsets = [14], sizes = [1], strides = [1]} : vector<16xf32> to vector<1xf32>
      %squeeze3A_228 = vector.extract %slice3A_227[0] : f32 from vector<1xf32>
      %broadcast_in_dim3A_229 = vector.broadcast %squeeze3A_228 : f32 to vector<16xf32>
      %slice3A_230 = vector.extract_strided_slice %get3A_62 {offsets = [14], sizes = [1], strides = [1]} : vector<16xf32> to vector<1xf32>
      %squeeze3A_231 = vector.extract %slice3A_230[0] : f32 from vector<1xf32>
      %broadcast_in_dim3A_232 = vector.broadcast %squeeze3A_231 : f32 to vector<16xf32>
      %slice3A_233 = vector.extract_strided_slice %get3A_54 {offsets = [15], sizes = [1], strides = [1]} : vector<16xf32> to vector<1xf32>
      %squeeze3A_234 = vector.extract %slice3A_233[0] : f32 from vector<1xf32>
      %broadcast_in_dim3A_235 = vector.broadcast %squeeze3A_234 : f32 to vector<16xf32>
      %slice3A_236 = vector.extract_strided_slice %get3A_58 {offsets = [15], sizes = [1], strides = [1]} : vector<16xf32> to vector<1xf32>
      %squeeze3A_237 = vector.extract %slice3A_236[0] : f32 from vector<1xf32>
      %broadcast_in_dim3A_238 = vector.broadcast %squeeze3A_237 : f32 to vector<16xf32>
      %slice3A_239 = vector.extract_strided_slice %get3A_62 {offsets = [15], sizes = [1], strides = [1]} : vector<16xf32> to vector<1xf32>
      %squeeze3A_240 = vector.extract %slice3A_239[0] : f32 from vector<1xf32>
      %broadcast_in_dim3A_241 = vector.broadcast %squeeze3A_240 : f32 to vector<16xf32>
      %scan3A_242 = arith.constant 0 : i32
      %scan3A_243 = arith.constant 128 : i32
      %scan3A_244 = arith.addi %scan3A_242, %scan3A_243 : i32
      %scan3A_245 = arith.constant 1 : i32
      %scan3A_246:8 = scf.for %scan3A_346 = %scan3A_242 to %scan3A_244 step %scan3A_245 iter_args(%scan3A_347 = %broadcast_in_dim3A_31, %scan3A_348 = %broadcast_in_dim3A_31, %scan3A_349 = %broadcast_in_dim3A_31, %scan3A_350 = %broadcast_in_dim3A_31, %scan3A_351 = %broadcast_in_dim3A_31, %scan3A_352 = %broadcast_in_dim3A_31, %scan3A_353 = %broadcast_in_dim3A_31, %scan3A_354 = %broadcast_in_dim3A_31) -> (vector<16xf32>, vector<16xf32>, vector<16xf32>, vector<16xf32>, vector<16xf32>, vector<16xf32>, vector<16xf32>, vector<16xf32>)  : i32 {
        %mul3A_355 = arith.constant 16 : i32
        %mul3A_356 = arith.muli %scan3A_346, %mul3A_355 : i32
        %get3A_357 = arith.constant 0 : i32
        %get3A_358 = arith.index_cast %get3A_357 : i32 to index
        %get3A_359 = arith.index_cast %mul3A_356 : i32 to index
        %get3A_360 = tpu.vector_load %arg7[%get3A_358, %get3A_359] {strides = array<i32>} : memref<3x2048xf32, #tpu.memory_space<vmem>>, vector<16xf32>,
        %mul3A_361 = arith.constant 16 : i32
        %mul3A_362 = arith.muli %scan3A_346, %mul3A_361 : i32
        %get3A_363 = arith.constant 1 : i32
        %get3A_364 = arith.index_cast %get3A_363 : i32 to index
        %get3A_365 = arith.index_cast %mul3A_362 : i32 to index
        %get3A_366 = tpu.vector_load %arg7[%get3A_364, %get3A_365] {strides = array<i32>} : memref<3x2048xf32, #tpu.memory_space<vmem>>, vector<16xf32>,
        %mul3A_367 = arith.constant 16 : i32
        %mul3A_368 = arith.muli %scan3A_346, %mul3A_367 : i32
        %get3A_369 = arith.constant 2 : i32
        %get3A_370 = arith.index_cast %get3A_369 : i32 to index
        %get3A_371 = arith.index_cast %mul3A_368 : i32 to index
        %get3A_372 = tpu.vector_load %arg7[%get3A_370, %get3A_371] {strides = array<i32>} : memref<3x2048xf32, #tpu.memory_space<vmem>>, vector<16xf32>,
        %mul3A_373 = arith.constant 16 : i32
        %mul3A_374 = arith.muli %scan3A_346, %mul3A_373 : i32
        %get3A_375 = arith.index_cast %mul3A_374 : i32 to index
        %get3A_376 = tpu.vector_load %arg8[%get3A_375] {strides = array<i32>} : memref<2048xf32, #tpu.memory_space<vmem>>, vector<16xf32>,
        %sub3A_377 = arith.subf %get3A_360, %broadcast_in_dim3A_172 : vector<16xf32>
        %sub3A_378 = arith.subf %get3A_366, %broadcast_in_dim3A_175 : vector<16xf32>
        %sub3A_379 = arith.subf %get3A_372, %broadcast_in_dim3A_178 : vector<16xf32>
        %mul3A_380 = arith.mulf %sub3A_377, %sub3A_377 : vector<16xf32>
        %mul3A_381 = arith.mulf %sub3A_378, %sub3A_378 : vector<16xf32>
        %add3A_382 = arith.addf %mul3A_380, %mul3A_381 : vector<16xf32>
        %mul3A_383 = arith.mulf %sub3A_379, %sub3A_379 : vector<16xf32>
        %add3A_384 = arith.addf %add3A_382, %mul3A_383 : vector<16xf32>
        %min3A_385 = arith.minimumf %scan3A_347, %add3A_384 : vector<16xf32>
        %min3A_386 = arith.minimumf %get3A_376, %add3A_384 : vector<16xf32>
        %sub3A_387 = arith.subf %get3A_360, %broadcast_in_dim3A_181 : vector<16xf32>
        %sub3A_388 = arith.subf %get3A_366, %broadcast_in_dim3A_184 : vector<16xf32>
        %sub3A_389 = arith.subf %get3A_372, %broadcast_in_dim3A_187 : vector<16xf32>
        %mul3A_390 = arith.mulf %sub3A_387, %sub3A_387 : vector<16xf32>
        %mul3A_391 = arith.mulf %sub3A_388, %sub3A_388 : vector<16xf32>
        %add3A_392 = arith.addf %mul3A_390, %mul3A_391 : vector<16xf32>
        %mul3A_393 = arith.mulf %sub3A_389, %sub3A_389 : vector<16xf32>
        %add3A_394 = arith.addf %add3A_392, %mul3A_393 : vector<16xf32>
        %min3A_395 = arith.minimumf %scan3A_348, %add3A_394 : vector<16xf32>
        %min3A_396 = arith.minimumf %min3A_386, %add3A_394 : vector<16xf32>
        %sub3A_397 = arith.subf %get3A_360, %broadcast_in_dim3A_190 : vector<16xf32>
        %sub3A_398 = arith.subf %get3A_366, %broadcast_in_dim3A_193 : vector<16xf32>
        %sub3A_399 = arith.subf %get3A_372, %broadcast_in_dim3A_196 : vector<16xf32>
        %mul3A_400 = arith.mulf %sub3A_397, %sub3A_397 : vector<16xf32>
        %mul3A_401 = arith.mulf %sub3A_398, %sub3A_398 : vector<16xf32>
        %add3A_402 = arith.addf %mul3A_400, %mul3A_401 : vector<16xf32>
        %mul3A_403 = arith.mulf %sub3A_399, %sub3A_399 : vector<16xf32>
        %add3A_404 = arith.addf %add3A_402, %mul3A_403 : vector<16xf32>
        %min3A_405 = arith.minimumf %scan3A_349, %add3A_404 : vector<16xf32>
        %min3A_406 = arith.minimumf %min3A_396, %add3A_404 : vector<16xf32>
        %sub3A_407 = arith.subf %get3A_360, %broadcast_in_dim3A_199 : vector<16xf32>
        %sub3A_408 = arith.subf %get3A_366, %broadcast_in_dim3A_202 : vector<16xf32>
        %sub3A_409 = arith.subf %get3A_372, %broadcast_in_dim3A_205 : vector<16xf32>
        %mul3A_410 = arith.mulf %sub3A_407, %sub3A_407 : vector<16xf32>
        %mul3A_411 = arith.mulf %sub3A_408, %sub3A_408 : vector<16xf32>
        %add3A_412 = arith.addf %mul3A_410, %mul3A_411 : vector<16xf32>
        %mul3A_413 = arith.mulf %sub3A_409, %sub3A_409 : vector<16xf32>
        %add3A_414 = arith.addf %add3A_412, %mul3A_413 : vector<16xf32>
        %min3A_415 = arith.minimumf %scan3A_350, %add3A_414 : vector<16xf32>
        %min3A_416 = arith.minimumf %min3A_406, %add3A_414 : vector<16xf32>
        %sub3A_417 = arith.subf %get3A_360, %broadcast_in_dim3A_208 : vector<16xf32>
        %sub3A_418 = arith.subf %get3A_366, %broadcast_in_dim3A_211 : vector<16xf32>
        %sub3A_419 = arith.subf %get3A_372, %broadcast_in_dim3A_214 : vector<16xf32>
        %mul3A_420 = arith.mulf %sub3A_417, %sub3A_417 : vector<16xf32>
        %mul3A_421 = arith.mulf %sub3A_418, %sub3A_418 : vector<16xf32>
        %add3A_422 = arith.addf %mul3A_420, %mul3A_421 : vector<16xf32>
        %mul3A_423 = arith.mulf %sub3A_419, %sub3A_419 : vector<16xf32>
        %add3A_424 = arith.addf %add3A_422, %mul3A_423 : vector<16xf32>
        %min3A_425 = arith.minimumf %scan3A_351, %add3A_424 : vector<16xf32>
        %min3A_426 = arith.minimumf %min3A_416, %add3A_424 : vector<16xf32>
        %sub3A_427 = arith.subf %get3A_360, %broadcast_in_dim3A_217 : vector<16xf32>
        %sub3A_428 = arith.subf %get3A_366, %broadcast_in_dim3A_220 : vector<16xf32>
        %sub3A_429 = arith.subf %get3A_372, %broadcast_in_dim3A_223 : vector<16xf32>
        %mul3A_430 = arith.mulf %sub3A_427, %sub3A_427 : vector<16xf32>
        %mul3A_431 = arith.mulf %sub3A_428, %sub3A_428 : vector<16xf32>
        %add3A_432 = arith.addf %mul3A_430, %mul3A_431 : vector<16xf32>
        %mul3A_433 = arith.mulf %sub3A_429, %sub3A_429 : vector<16xf32>
        %add3A_434 = arith.addf %add3A_432, %mul3A_433 : vector<16xf32>
        %min3A_435 = arith.minimumf %scan3A_352, %add3A_434 : vector<16xf32>
        %min3A_436 = arith.minimumf %min3A_426, %add3A_434 : vector<16xf32>
        %sub3A_437 = arith.subf %get3A_360, %broadcast_in_dim3A_226 : vector<16xf32>
        %sub3A_438 = arith.subf %get3A_366, %broadcast_in_dim3A_229 : vector<16xf32>
        %sub3A_439 = arith.subf %get3A_372, %broadcast_in_dim3A_232 : vector<16xf32>
        %mul3A_440 = arith.mulf %sub3A_437, %sub3A_437 : vector<16xf32>
        %mul3A_441 = arith.mulf %sub3A_438, %sub3A_438 : vector<16xf32>
        %add3A_442 = arith.addf %mul3A_440, %mul3A_441 : vector<16xf32>
        %mul3A_443 = arith.mulf %sub3A_439, %sub3A_439 : vector<16xf32>
        %add3A_444 = arith.addf %add3A_442, %mul3A_443 : vector<16xf32>
        %min3A_445 = arith.minimumf %scan3A_353, %add3A_444 : vector<16xf32>
        %min3A_446 = arith.minimumf %min3A_436, %add3A_444 : vector<16xf32>
        %sub3A_447 = arith.subf %get3A_360, %broadcast_in_dim3A_235 : vector<16xf32>
        %sub3A_448 = arith.subf %get3A_366, %broadcast_in_dim3A_238 : vector<16xf32>
        %sub3A_449 = arith.subf %get3A_372, %broadcast_in_dim3A_241 : vector<16xf32>
        %mul3A_450 = arith.mulf %sub3A_447, %sub3A_447 : vector<16xf32>
        %mul3A_451 = arith.mulf %sub3A_448, %sub3A_448 : vector<16xf32>
        %add3A_452 = arith.addf %mul3A_450, %mul3A_451 : vector<16xf32>
        %mul3A_453 = arith.mulf %sub3A_449, %sub3A_449 : vector<16xf32>
        %add3A_454 = arith.addf %add3A_452, %mul3A_453 : vector<16xf32>
        %min3A_455 = arith.minimumf %scan3A_354, %add3A_454 : vector<16xf32>
        %min3A_456 = arith.minimumf %min3A_446, %add3A_454 : vector<16xf32>
        %mul3A_457 = arith.constant 16 : i32
        %mul3A_458 = arith.muli %scan3A_346, %mul3A_457 : i32
        %swap3A_459 = arith.index_cast %mul3A_458 : i32 to index
        %swap3A_460 = tpu.vector_load %arg8[%swap3A_459] {strides = array<i32>} : memref<2048xf32, #tpu.memory_space<vmem>>, vector<16xf32>,
        tpu.vector_store %arg8[%swap3A_459], %min3A_456 {strides = array<i32>} : memref<2048xf32, #tpu.memory_space<vmem>>, vector<16xf32>,
        scf.yield %min3A_385, %min3A_395, %min3A_405, %min3A_415, %min3A_425, %min3A_435, %min3A_445, %min3A_455 : vector<16xf32>, vector<16xf32>, vector<16xf32>, vector<16xf32>, vector<16xf32>, vector<16xf32>, vector<16xf32>, vector<16xf32>
      }
      %scan3A_247 = arith.constant 128 : i32
      %swap3A_248 = arith.constant 8 : i32
      %swap3A_249 = arith.index_cast %swap3A_248 : i32 to index
      %swap3A_250 = arith.constant 0 : index
      %swap3A_251 = tpu.vector_load %arg10[%swap3A_249, %swap3A_250] {strides = array<i32>} : memref<16x16xf32, #tpu.memory_space<vmem>>, vector<16xf32>,
      tpu.vector_store %arg10[%swap3A_249, %swap3A_250], %scan3A_246#0 {strides = array<i32>} : memref<16x16xf32, #tpu.memory_space<vmem>>, vector<16xf32>,
      %swap3A_252 = arith.constant 9 : i32
      %swap3A_253 = arith.index_cast %swap3A_252 : i32 to index
      %swap3A_254 = arith.constant 0 : index
      %swap3A_255 = tpu.vector_load %arg10[%swap3A_253, %swap3A_254] {strides = array<i32>} : memref<16x16xf32, #tpu.memory_space<vmem>>, vector<16xf32>,
      tpu.vector_store %arg10[%swap3A_253, %swap3A_254], %scan3A_246#1 {strides = array<i32>} : memref<16x16xf32, #tpu.memory_space<vmem>>, vector<16xf32>,
      %swap3A_256 = arith.constant 10 : i32
      %swap3A_257 = arith.index_cast %swap3A_256 : i32 to index
      %swap3A_258 = arith.constant 0 : index
      %swap3A_259 = tpu.vector_load %arg10[%swap3A_257, %swap3A_258] {strides = array<i32>} : memref<16x16xf32, #tpu.memory_space<vmem>>, vector<16xf32>,
      tpu.vector_store %arg10[%swap3A_257, %swap3A_258], %scan3A_246#2 {strides = array<i32>} : memref<16x16xf32, #tpu.memory_space<vmem>>, vector<16xf32>,
      %swap3A_260 = arith.constant 11 : i32
      %swap3A_261 = arith.index_cast %swap3A_260 : i32 to index
      %swap3A_262 = arith.constant 0 : index
      %swap3A_263 = tpu.vector_load %arg10[%swap3A_261, %swap3A_262] {strides = array<i32>} : memref<16x16xf32, #tpu.memory_space<vmem>>, vector<16xf32>,
      tpu.vector_store %arg10[%swap3A_261, %swap3A_262], %scan3A_246#3 {strides = array<i32>} : memref<16x16xf32, #tpu.memory_space<vmem>>, vector<16xf32>,
      %swap3A_264 = arith.constant 12 : i32
      %swap3A_265 = arith.index_cast %swap3A_264 : i32 to index
      %swap3A_266 = arith.constant 0 : index
      %swap3A_267 = tpu.vector_load %arg10[%swap3A_265, %swap3A_266] {strides = array<i32>} : memref<16x16xf32, #tpu.memory_space<vmem>>, vector<16xf32>,
      tpu.vector_store %arg10[%swap3A_265, %swap3A_266], %scan3A_246#4 {strides = array<i32>} : memref<16x16xf32, #tpu.memory_space<vmem>>, vector<16xf32>,
      %swap3A_268 = arith.constant 13 : i32
      %swap3A_269 = arith.index_cast %swap3A_268 : i32 to index
      %swap3A_270 = arith.constant 0 : index
      %swap3A_271 = tpu.vector_load %arg10[%swap3A_269, %swap3A_270] {strides = array<i32>} : memref<16x16xf32, #tpu.memory_space<vmem>>, vector<16xf32>,
      tpu.vector_store %arg10[%swap3A_269, %swap3A_270], %scan3A_246#5 {strides = array<i32>} : memref<16x16xf32, #tpu.memory_space<vmem>>, vector<16xf32>,
      %swap3A_272 = arith.constant 14 : i32
      %swap3A_273 = arith.index_cast %swap3A_272 : i32 to index
      %swap3A_274 = arith.constant 0 : index
      %swap3A_275 = tpu.vector_load %arg10[%swap3A_273, %swap3A_274] {strides = array<i32>} : memref<16x16xf32, #tpu.memory_space<vmem>>, vector<16xf32>,
      tpu.vector_store %arg10[%swap3A_273, %swap3A_274], %scan3A_246#6 {strides = array<i32>} : memref<16x16xf32, #tpu.memory_space<vmem>>, vector<16xf32>,
      %swap3A_276 = arith.constant 15 : i32
      %swap3A_277 = arith.index_cast %swap3A_276 : i32 to index
      %swap3A_278 = arith.constant 0 : index
      %swap3A_279 = tpu.vector_load %arg10[%swap3A_277, %swap3A_278] {strides = array<i32>} : memref<16x16xf32, #tpu.memory_space<vmem>>, vector<16xf32>,
      tpu.vector_store %arg10[%swap3A_277, %swap3A_278], %scan3A_246#7 {strides = array<i32>} : memref<16x16xf32, #tpu.memory_space<vmem>>, vector<16xf32>,
      %broadcast_in_dim3A_280 = arith.constant 0 : i32
      %broadcast_in_dim3A_281 = vector.broadcast %broadcast_in_dim3A_280 : i32 to vector<16xi32>
      %gather3A = tpu.vector_load_idx %arg10[%iota3A, %broadcast_in_dim3A_281] : memref<16x16xf32, #tpu.memory_space<vmem>>[vector<16xi32>, vector<16xi32>], vector<16xf32>,
      %broadcast_in_dim3A_282 = arith.constant 1 : i32
      %broadcast_in_dim3A_283 = vector.broadcast %broadcast_in_dim3A_282 : i32 to vector<16xi32>
      %gather3A_284 = tpu.vector_load_idx %arg10[%iota3A, %broadcast_in_dim3A_283] : memref<16x16xf32, #tpu.memory_space<vmem>>[vector<16xi32>, vector<16xi32>], vector<16xf32>,
      %broadcast_in_dim3A_285 = arith.constant 2 : i32
      %broadcast_in_dim3A_286 = vector.broadcast %broadcast_in_dim3A_285 : i32 to vector<16xi32>
      %gather3A_287 = tpu.vector_load_idx %arg10[%iota3A, %broadcast_in_dim3A_286] : memref<16x16xf32, #tpu.memory_space<vmem>>[vector<16xi32>, vector<16xi32>], vector<16xf32>,
      %broadcast_in_dim3A_288 = arith.constant 3 : i32
      %broadcast_in_dim3A_289 = vector.broadcast %broadcast_in_dim3A_288 : i32 to vector<16xi32>
      %gather3A_290 = tpu.vector_load_idx %arg10[%iota3A, %broadcast_in_dim3A_289] : memref<16x16xf32, #tpu.memory_space<vmem>>[vector<16xi32>, vector<16xi32>], vector<16xf32>,
      %broadcast_in_dim3A_291 = arith.constant 4 : i32
      %broadcast_in_dim3A_292 = vector.broadcast %broadcast_in_dim3A_291 : i32 to vector<16xi32>
      %gather3A_293 = tpu.vector_load_idx %arg10[%iota3A, %broadcast_in_dim3A_292] : memref<16x16xf32, #tpu.memory_space<vmem>>[vector<16xi32>, vector<16xi32>], vector<16xf32>,
      %broadcast_in_dim3A_294 = arith.constant 5 : i32
      %broadcast_in_dim3A_295 = vector.broadcast %broadcast_in_dim3A_294 : i32 to vector<16xi32>
      %gather3A_296 = tpu.vector_load_idx %arg10[%iota3A, %broadcast_in_dim3A_295] : memref<16x16xf32, #tpu.memory_space<vmem>>[vector<16xi32>, vector<16xi32>], vector<16xf32>,
      %broadcast_in_dim3A_297 = arith.constant 6 : i32
      %broadcast_in_dim3A_298 = vector.broadcast %broadcast_in_dim3A_297 : i32 to vector<16xi32>
      %gather3A_299 = tpu.vector_load_idx %arg10[%iota3A, %broadcast_in_dim3A_298] : memref<16x16xf32, #tpu.memory_space<vmem>>[vector<16xi32>, vector<16xi32>], vector<16xf32>,
      %broadcast_in_dim3A_300 = arith.constant 7 : i32
      %broadcast_in_dim3A_301 = vector.broadcast %broadcast_in_dim3A_300 : i32 to vector<16xi32>
      %gather3A_302 = tpu.vector_load_idx %arg10[%iota3A, %broadcast_in_dim3A_301] : memref<16x16xf32, #tpu.memory_space<vmem>>[vector<16xi32>, vector<16xi32>], vector<16xf32>,
      %broadcast_in_dim3A_303 = arith.constant 8 : i32
      %broadcast_in_dim3A_304 = vector.broadcast %broadcast_in_dim3A_303 : i32 to vector<16xi32>
      %gather3A_305 = tpu.vector_load_idx %arg10[%iota3A, %broadcast_in_dim3A_304] : memref<16x16xf32, #tpu.memory_space<vmem>>[vector<16xi32>, vector<16xi32>], vector<16xf32>,
      %broadcast_in_dim3A_306 = arith.constant 9 : i32
      %broadcast_in_dim3A_307 = vector.broadcast %broadcast_in_dim3A_306 : i32 to vector<16xi32>
      %gather3A_308 = tpu.vector_load_idx %arg10[%iota3A, %broadcast_in_dim3A_307] : memref<16x16xf32, #tpu.memory_space<vmem>>[vector<16xi32>, vector<16xi32>], vector<16xf32>,
      %broadcast_in_dim3A_309 = arith.constant 10 : i32
      %broadcast_in_dim3A_310 = vector.broadcast %broadcast_in_dim3A_309 : i32 to vector<16xi32>
      %gather3A_311 = tpu.vector_load_idx %arg10[%iota3A, %broadcast_in_dim3A_310] : memref<16x16xf32, #tpu.memory_space<vmem>>[vector<16xi32>, vector<16xi32>], vector<16xf32>,
      %broadcast_in_dim3A_312 = arith.constant 11 : i32
      %broadcast_in_dim3A_313 = vector.broadcast %broadcast_in_dim3A_312 : i32 to vector<16xi32>
      %gather3A_314 = tpu.vector_load_idx %arg10[%iota3A, %broadcast_in_dim3A_313] : memref<16x16xf32, #tpu.memory_space<vmem>>[vector<16xi32>, vector<16xi32>], vector<16xf32>,
      %broadcast_in_dim3A_315 = arith.constant 12 : i32
      %broadcast_in_dim3A_316 = vector.broadcast %broadcast_in_dim3A_315 : i32 to vector<16xi32>
      %gather3A_317 = tpu.vector_load_idx %arg10[%iota3A, %broadcast_in_dim3A_316] : memref<16x16xf32, #tpu.memory_space<vmem>>[vector<16xi32>, vector<16xi32>], vector<16xf32>,
      %broadcast_in_dim3A_318 = arith.constant 13 : i32
      %broadcast_in_dim3A_319 = vector.broadcast %broadcast_in_dim3A_318 : i32 to vector<16xi32>
      %gather3A_320 = tpu.vector_load_idx %arg10[%iota3A, %broadcast_in_dim3A_319] : memref<16x16xf32, #tpu.memory_space<vmem>>[vector<16xi32>, vector<16xi32>], vector<16xf32>,
      %broadcast_in_dim3A_321 = arith.constant 14 : i32
      %broadcast_in_dim3A_322 = vector.broadcast %broadcast_in_dim3A_321 : i32 to vector<16xi32>
      %gather3A_323 = tpu.vector_load_idx %arg10[%iota3A, %broadcast_in_dim3A_322] : memref<16x16xf32, #tpu.memory_space<vmem>>[vector<16xi32>, vector<16xi32>], vector<16xf32>,
      %broadcast_in_dim3A_324 = arith.constant 15 : i32
      %broadcast_in_dim3A_325 = vector.broadcast %broadcast_in_dim3A_324 : i32 to vector<16xi32>
      %gather3A_326 = tpu.vector_load_idx %arg10[%iota3A, %broadcast_in_dim3A_325] : memref<16x16xf32, #tpu.memory_space<vmem>>[vector<16xi32>, vector<16xi32>], vector<16xf32>,
      %min3A = arith.minimumf %gather3A, %gather3A_284 : vector<16xf32>
      %min3A_327 = arith.minimumf %gather3A_287, %gather3A_290 : vector<16xf32>
      %min3A_328 = arith.minimumf %gather3A_293, %gather3A_296 : vector<16xf32>
      %min3A_329 = arith.minimumf %gather3A_299, %gather3A_302 : vector<16xf32>
      %min3A_330 = arith.minimumf %gather3A_305, %gather3A_308 : vector<16xf32>
      %min3A_331 = arith.minimumf %gather3A_311, %gather3A_314 : vector<16xf32>
      %min3A_332 = arith.minimumf %gather3A_317, %gather3A_320 : vector<16xf32>
      %min3A_333 = arith.minimumf %gather3A_323, %gather3A_326 : vector<16xf32>
      %min3A_334 = arith.minimumf %min3A, %min3A_327 : vector<16xf32>
      %min3A_335 = arith.minimumf %min3A_328, %min3A_329 : vector<16xf32>
      %min3A_336 = arith.minimumf %min3A_330, %min3A_331 : vector<16xf32>
      %min3A_337 = arith.minimumf %min3A_332, %min3A_333 : vector<16xf32>
      %min3A_338 = arith.minimumf %min3A_334, %min3A_335 : vector<16xf32>
      %min3A_339 = arith.minimumf %min3A_336, %min3A_337 : vector<16xf32>
      %min3A_340 = arith.minimumf %min3A_338, %min3A_339 : vector<16xf32>
      %mul3A_341 = arith.constant 16 : i32
      %mul3A_342 = arith.muli %scan3A_47, %mul3A_341 : i32
      %swap3A_343 = arith.index_cast %mul3A_342 : i32 to index
      %swap3A_344 = tpu.vector_load %arg9[%swap3A_343] {strides = array<i32>} : memref<1024xf32, #tpu.memory_space<vmem>>, vector<16xf32>,
      tpu.vector_store %arg9[%swap3A_343], %min3A_340 {strides = array<i32>} : memref<1024xf32, #tpu.memory_space<vmem>>, vector<16xf32>,
      %scan3A_345 = arith.constant 0 : i32
      scf.yield %scan3A_345 : i32
    }
    %scan3A_46 = arith.constant 64 : i32
    "tpu.region"() ({
      %run_scoped3A = tpu.sem_alloc : memref<!tpu.dma_semaphore, #tpu.memory_space<semaphore_mem>>
      %dma_start3A = arith.constant 0 : i32
      %dma_start3A_47 = tpu.memref_slice %arg4[%add3A, %dma_start3A] : memref<32x1024xf32, #tpu.memory_space<hbm>> -> memref<1x1024xf32, #tpu.memory_space<hbm>>
      %dma_start3A_48 = tpu.memref_squeeze %dma_start3A_47 : memref<1x1024xf32, #tpu.memory_space<hbm>> -> memref<1024xf32, #tpu.memory_space<hbm>>
      %dma_start3A_49 = arith.constant 0 : i32
      %dma_start3A_50 = tpu.memref_slice %arg4[%add3A, %dma_start3A_49] : memref<32x1024xf32, #tpu.memory_space<hbm>> -> memref<1x1024xf32, #tpu.memory_space<hbm>>
      %dma_start3A_51 = tpu.memref_squeeze %dma_start3A_50 : memref<1x1024xf32, #tpu.memory_space<hbm>> -> memref<1024xf32, #tpu.memory_space<hbm>>
      tpu.enqueue_dma source(%arg9 : memref<1024xf32, #tpu.memory_space<vmem>>) target(%dma_start3A_51 : memref<1024xf32, #tpu.memory_space<hbm>>) target_semaphore(%run_scoped3A : memref<!tpu.dma_semaphore, #tpu.memory_space<semaphore_mem>>)
      %dma_wait3A = arith.constant 0 : i32
      %dma_wait3A_52 = tpu.memref_slice %arg4[%add3A, %dma_wait3A] : memref<32x1024xf32, #tpu.memory_space<hbm>> -> memref<1x1024xf32, #tpu.memory_space<hbm>>
      %dma_wait3A_53 = tpu.memref_squeeze %dma_wait3A_52 : memref<1x1024xf32, #tpu.memory_space<hbm>> -> memref<1024xf32, #tpu.memory_space<hbm>>
      %dma_wait3A_54 = arith.constant 0 : i32
      %dma_wait3A_55 = tpu.memref_slice %arg4[%add3A, %dma_wait3A_54] : memref<32x1024xf32, #tpu.memory_space<hbm>> -> memref<1x1024xf32, #tpu.memory_space<hbm>>
      %dma_wait3A_56 = tpu.memref_squeeze %dma_wait3A_55 : memref<1x1024xf32, #tpu.memory_space<hbm>> -> memref<1024xf32, #tpu.memory_space<hbm>>
      tpu.wait_dma2 semaphore(%run_scoped3A : memref<!tpu.dma_semaphore, #tpu.memory_space<semaphore_mem>>) src(%arg9 : memref<1024xf32, #tpu.memory_space<vmem>>) dst(%dma_wait3A_56 : memref<1024xf32, #tpu.memory_space<hbm>>)
      tpu.yield
    }) : () -> ()
    "tpu.region"() ({
      %run_scoped3A = tpu.sem_alloc : memref<!tpu.dma_semaphore, #tpu.memory_space<semaphore_mem>>
      %dma_start3A = arith.constant 0 : i32
      %dma_start3A_47 = tpu.memref_slice %arg5[%add3A, %dma_start3A] : memref<32x2048xf32, #tpu.memory_space<hbm>> -> memref<1x2048xf32, #tpu.memory_space<hbm>>
      %dma_start3A_48 = tpu.memref_squeeze %dma_start3A_47 : memref<1x2048xf32, #tpu.memory_space<hbm>> -> memref<2048xf32, #tpu.memory_space<hbm>>
      %dma_start3A_49 = arith.constant 0 : i32
      %dma_start3A_50 = tpu.memref_slice %arg5[%add3A, %dma_start3A_49] : memref<32x2048xf32, #tpu.memory_space<hbm>> -> memref<1x2048xf32, #tpu.memory_space<hbm>>
      %dma_start3A_51 = tpu.memref_squeeze %dma_start3A_50 : memref<1x2048xf32, #tpu.memory_space<hbm>> -> memref<2048xf32, #tpu.memory_space<hbm>>
      tpu.enqueue_dma source(%arg8 : memref<2048xf32, #tpu.memory_space<vmem>>) target(%dma_start3A_51 : memref<2048xf32, #tpu.memory_space<hbm>>) target_semaphore(%run_scoped3A : memref<!tpu.dma_semaphore, #tpu.memory_space<semaphore_mem>>)
      %dma_wait3A = arith.constant 0 : i32
      %dma_wait3A_52 = tpu.memref_slice %arg5[%add3A, %dma_wait3A] : memref<32x2048xf32, #tpu.memory_space<hbm>> -> memref<1x2048xf32, #tpu.memory_space<hbm>>
      %dma_wait3A_53 = tpu.memref_squeeze %dma_wait3A_52 : memref<1x2048xf32, #tpu.memory_space<hbm>> -> memref<2048xf32, #tpu.memory_space<hbm>>
      %dma_wait3A_54 = arith.constant 0 : i32
      %dma_wait3A_55 = tpu.memref_slice %arg5[%add3A, %dma_wait3A_54] : memref<32x2048xf32, #tpu.memory_space<hbm>> -> memref<1x2048xf32, #tpu.memory_space<hbm>>
      %dma_wait3A_56 = tpu.memref_squeeze %dma_wait3A_55 : memref<1x2048xf32, #tpu.memory_space<hbm>> -> memref<2048xf32, #tpu.memory_space<hbm>>
      tpu.wait_dma2 semaphore(%run_scoped3A : memref<!tpu.dma_semaphore, #tpu.memory_space<semaphore_mem>>) src(%arg8 : memref<2048xf32, #tpu.memory_space<vmem>>) dst(%dma_wait3A_56 : memref<2048xf32, #tpu.memory_space<hbm>>)
      tpu.yield
    }) : () -> ()
    return
  }
}

</mosaic_0001>

<sc_bundles>
// kernel: kernel.3.cloned.1.call-start
scs
__scs_entry_jumppad:
0x0: {  	(pc) =	sbr.rel $0x88, $3  }
0x1: {  	(tag) =	ssettag $0x0;
	lr =	simm.s32 $0x1  }
0x2: {  	[smem:$0x3F9F] =	sst lr;
	_ =	strace $0xD0000000  }
0x3: {  	_ = 	snop  }
0x4: {  	_ = 	snop  }
0x5: {  	_ = 	snop  }
0x6: {  	_ = 	snop  }
0x7: {  	_ = 	snop  }
__scs_overlays_trampoline_lowered:
0x8: {  	[smem:$0x3FAE] =	sst s0  }
0x9: {  	[smem:$0x3FAF] =	sst s1  }
0xa: {  	[smem:$0x3FB0] =	sst s2  }
0xb: {  	[smem:$0x3FB1] =	sst s3  }
0xc: {  	[smem:$0x3FB2] =	sst s4  }
0xd: {  	[smem:$0x3FB3] =	sst s5  }
0xe: {  	[smem:$0x3FB4] =	sst s6  }
0xf: {  	[smem:$0x3FB5] =	sst s7  }
0x10: {  	[smem:$0x3FB6] =	sst s8  }
0x11: {  	[smem:$0x3FB7] =	sst s9;
	s0 =	simm.s32 @!p0 $0x0  }
0x12: {  	s1 =	sld [smem:$0x3F9D];
	s0 =	simm.s32 @p0 $0x1  }
0x13: {  	[smem:$0x3FB8] =	sst s0;
	s0 =	simm.s32 @!p1 $0x0  }
0x14: {  	s2 =	sld [smem:$0x3F9C];
	s0 =	simm.s32 @p1 $0x1  }
0x15: {  	[smem:$0x3FB9] =	sst s0;
	s0 =	simm.s32 @!p2 $0x0  }
0x16: {  	s3 =	sld [smem:$0x3FDB];
	s0 =	simm.s32 @p2 $0x1  }
0x17: {  	s4 =	simm.s32 $0x1BF5;
	[smem:$0x3FBB] =	sst s0  }
0x18: {  	s0 =	sld [smem:$0x3F9E];
	_ =	swait.ge [sflag:s4], $0x0  }
0x19: {  	s7 =	sld [smem:$0x3F9F]  }
0x1a: {  	s8 =	sadd.s32 $0xFFFFE003, lr  }
0x1b: {  	s9 =	sadd.s32 $0xFFFFFEF7, lr;
	s5 =	simm.s32 $0xFFFFFFFF;
	p2 =	slt.u32 s8, $0xFFFFF086  }
0x1c: {  	p1 =	slt.u32 s9, $0xF7A;
	s5 =	simm.s32 @!p2 $0x0  }
0x1d: {  	s5 =	simm.s32 @p1 $0x1;
	p0 =	seq.s32 s7, s2  }
0x1e: {  	s7 =	smul.u32 @!p0 $0xF7A, s2;
	p2 =	seq.s32 @!p0 s5, $0x0  }
0x1f: {  	s9 =	smul.u32 $0xF7A, s1;
	s8 =	simm.s32 @!p0 $0x1BF5;
	p2 =	por !p2, p0  }
0x20: {  	[sflag:s8] =	ssyncset.s32 @!p0 $0xFFFFF086;
	s6 =	sadd.s32 @!p0 s3, s7;
	s7 =	simm.s32 @!p0 $0x108  }
0x21: {  	s3 =	sadd.s32 s3, s9;
	s6 =	sadd.s32 @!p0 $0x88, s6;
	s7 =	simm.s32 @p2 $0x1082  }
0x22: {  	[simem:s7], [sflag:s8] =	dma.local @!p0 [hbm:s6], $0xF7A  }
0x23: {  	s9 =	sor.u32 $0xD0000000, s2;
	s6 =	simm.s32 $0x108;
	_ =	swait.ge @!p0 [sflag:s8], $0x0  }
0x24: {  	s3 =	sadd.s32 $0x88, s3;
	s6 =	simm.s32 @!p1 $0x1082;
	[sflag:s4] =	ssyncset.s32 $0xFFFFF086  }
0x25: {  	[simem:s6], [sflag:s4] =	dma.local [hbm:s3], $0xF7A  }
0x26: {  	[smem:$0x3F9F] =	sst s1;
	(tag) =	ssettag s2;
	_ =	strace s9  }
0x27: {  	s1 =	sld [smem:$0x3FAF]  }
0x28: {  	s2 =	sld [smem:$0x3FB0]  }
0x29: {  	s4 =	sld [smem:$0x3FB2]  }
0x2a: {  	p0 =	seq.s32 s5, $0x0;
	s5 =	sld [smem:$0x3FB3]  }
0x2b: {  	s6 =	sld [smem:$0x3FB4]  }
0x2c: {  	s7 =	sld [smem:$0x3FB5]  }
0x2d: {  	s3 =	simm.s32 $0x108;
	s8 =	sld [smem:$0x3FB6]  }
0x2e: {  	s3 =	simm.s32 @!p0 $0x1082;
	s9 =	sld [smem:$0x3FB7]  }
0x2f: {  	lr =	sadd.s32 s0, s3;
	s0 =	sld [smem:$0x3FAE]  }
0x30: {  	s3 =	sld [smem:$0x3FB1]  }
0x31: {  	[smem:$0x3FBA] =	sst s10  }
0x32: {  	s10 =	sld [smem:$0x3FB8];
	_ =	sdelay $0x3  }
0x33: {  	p0 =	seq.s32 s10, $0x1;
	s10 =	sld [smem:$0x3FBA];
	_ =	sdelay $0x3  }
0x34: {  	[smem:$0x3FBA] =	sst s10  }
0x35: {  	s10 =	sld [smem:$0x3FB9];
	_ =	sdelay $0x3  }
0x36: {  	p1 =	seq.s32 s10, $0x1;
	s10 =	sld [smem:$0x3FBA];
	_ =	sdelay $0x3  }
0x37: {  	[smem:$0x3FBA] =	sst s10  }
0x38: {  	s10 =	sld [smem:$0x3FBB]  }
0x39: {  	_ = 	snop;
	(pc) =	sbr.ind lr, $3  }
0x3a: {  	_ = 	snop  }
0x3b: {  	_ = 	snop  }
0x3c: {  	p2 =	seq.s32 s10, $0x1;
	s10 =	sld [smem:$0x3FBA]  }
0x3d: {  	_ =	shalt  }
0x3e: {  	_ =	shalt  }
0x3f: {  	_ =	shalt  }
0x40: {  	_ =	shalt  }
0x41: {  	_ =	shalt  }
0x42: {  	_ =	shalt  }
0x43: {  	_ =	shalt  }
0x44: {  	_ =	shalt  }
0x45: {  	_ =	shalt  }
0x46: {  	_ =	shalt  }
0x47: {  	_ =	shalt  }
0x48: {  	_ =	shalt  }
0x49: {  	_ =	shalt  }
0x4a: {  	_ =	shalt  }
0x4b: {  	_ =	shalt  }
0x4c: {  	_ =	shalt  }
0x4d: {  	_ =	shalt  }
0x4e: {  	_ =	shalt  }
0x4f: {  	_ =	shalt  }
0x50: {  	_ =	shalt  }
0x51: {  	_ =	shalt  }
0x52: {  	_ =	shalt  }
0x53: {  	_ =	shalt  }
0x54: {  	_ =	shalt  }
0x55: {  	_ =	shalt  }
0x56: {  	_ =	shalt  }
0x57: {  	_ =	shalt  }
0x58: {  	_ =	shalt  }
0x59: {  	_ =	shalt  }
0x5a: {  	_ =	shalt  }
0x5b: {  	_ =	shalt  }
0x5c: {  	_ =	shalt  }
0x5d: {  	_ =	shalt  }
0x5e: {  	_ =	shalt  }
0x5f: {  	_ =	shalt  }
0x60: {  	_ =	shalt  }
0x61: {  	_ =	shalt  }
0x62: {  	_ =	shalt  }
0x63: {  	_ =	shalt  }
0x64: {  	_ =	shalt  }
0x65: {  	_ =	shalt  }
0x66: {  	_ =	shalt  }
0x67: {  	_ =	shalt  }
0x68: {  	_ =	shalt  }
0x69: {  	_ =	shalt  }
0x6a: {  	_ =	shalt  }
0x6b: {  	_ =	shalt  }
0x6c: {  	_ =	shalt  }
0x6d: {  	_ =	shalt  }
0x6e: {  	_ =	shalt  }
0x6f: {  	_ =	shalt  }
0x70: {  	_ =	shalt  }
0x71: {  	_ =	shalt  }
0x72: {  	_ =	shalt  }
0x73: {  	_ =	shalt  }
0x74: {  	_ =	shalt  }
0x75: {  	_ =	shalt  }
0x76: {  	_ =	shalt  }
0x77: {  	_ =	shalt  }
0x78: {  	_ =	shalt  }
0x79: {  	_ =	shalt  }
0x7a: {  	_ =	shalt  }
0x7b: {  	_ =	shalt  }
0x7c: {  	_ =	shalt  }
0x7d: {  	_ =	shalt  }
0x7e: {  	_ =	shalt  }
0x7f: {  	_ =	shalt  }
0x80: {  	_ =	shalt  }
0x81: {  	_ =	shalt  }
0x82: {  	_ =	shalt  }
0x83: {  	_ =	shalt  }
0x84: {  	_ =	shalt  }
0x85: {  	_ =	shalt  }
0x86: {  	_ =	shalt  }
0x87: {  	_ =	shalt  }
.Lfunc_end0:
.L_simem_size_0:
called_computation_lowered:
.L_overlay_start_0:
0x88: {  	s2 =	sld [smem:$0x3FD9]  }
0x89: {  	s3 =	sld [smem:$0x3FFE];
	_ =	sdelay $0x1  }
0x8a: {  	s1 =	srdreg.scid  }
0x8b: {  	s0 =	sand.u32 $0x1, s1  }
0x8c: {  	s16 =	sshll.u32 s0, $0xA;
	s2 =	sadd.s32 s3, s2  }
0x8d: {  	s2 =	sadd.s32 s2, s16  }
0x8e: {  	[smem:$0x3FC6] =	sst s2  }
0x8f: {  	_ = 	snop  }
0x90: {  	(tm) =	ssettm $0x1  }
0x91: {  	s17 =	sld [smem:$0x3FFB];
	_ =	sdelay $0x3  }
0x92: {  	_ =	strace s17  }
0x93: {  	s2 =	sld [smem:$0x3FFC];
	_ =	sdelay $0x3  }
0x94: {  	_ =	strace s2  }
0x95: {  	s2 =	sld [smem:$0x3FFD];
	_ =	sdelay $0x3  }
0x96: {  	_ =	strace s2  }
0x97: {  	_ =	strace $0x8FFFFFFF  }
0x98: {  	s18 =	sld [smem:$0x3FDB];
	_ =	sdelay $0x1  }
0x99: {  	s19 =	simm.s32 $_scs_section_size  }
0x9a: {  	s4 =	simm.s32 $_size__tile_overlayer_lowered;
	s5 =	simm.s32 $_tile_overlayer_lowered  }
0x9b: {  	s22 =	simm.s32 $0x1BFF;
	s21 =	sshll.u32 s5, $0x1;
	s2 =	sadd.s32 s19, s18  }
0x9c: {  	s6 =	simm.s32 $0x0;
	s20 =	sshll.u32 s4, $0x1;
	s4 =	sadd.s32 s21, s2  }
0x9d: {  	[timem:s6], [sflag:s22] =	dma.local [hbm:s4], s20  }
0x9e: {  	_ =	swait.ge [sflag:s22], s20  }
0x9f: {  	s3 =	ssub.s32 $0x0, s20;
	[sflag:s22] =	ssyncset.done $0x0  }
0xa0: {  	[sflag:s22] =	ssyncadd.s32 s3;
	_ =	sdelay $0x1  }
0xa1: {  	s23 =	simm.s32 $0x1B8B  }
0xa2: {  	_ =	swait.ge [sflag:s23], $0x1  }
0xa3: {  	[sflag:s23] =	ssyncset.done $0x0  }
0xa4: {  	s25 =	simm.s32 $0x1B8E;
	s24 =	sld [smem:$0x3FFE];
	[sflag:s23] =	ssyncadd.s32 $0xFFFFFFFF  }
0xa5: {  	s26 =	simm.s32 $execute0_lowered;
	[smem:$0x3FD2] =	sst s25  }
0xa6: {  	s4 =	sshll.u32 s26, $0x1;
	_ =	strace $0x80000046;
	[dreg:$0x1] =	wrdreg $0xFFFFFFFF  }
0xa7: {  	s28 =	simm.s32 $_size_execute0_lowered;
	s2 =	sadd.s32 s2, s4;
	[dreg:$0x0] =	wrdreg $0x0  }
0xa8: {  	s4 =	sshll.u32 s28, $0x1;
	[dreg:$0x2] =	wrdreg s2  }
0xa9: {  	[dreg:$0x3] =	wrdreg s4  }
0xaa: {  	[dreg:$0x4] =	wrdreg $0xC0  }
0xab: {  	_ =	task [dreg:s6], $0x5FFFF  }
0xac: {  	[dreg:$0x1] =	wrdreg $0xFFFFFFFF  }
0xad: {  	[dreg:$0x0] =	wrdreg $0x60  }
0xae: {  	[dreg:$0x2] =	wrdreg s24  }
0xaf: {  	[dreg:$0x3] =	wrdreg $0x9  }
0xb0: {  	_ =	task.clear_ibuf [dreg:s6], $0x4FFFF;
	_ =	strace $0x90000046  }
0xb1: {  	s29 =	simm.s32 $0x9;
	_ =	strace $0x80000048  }
0xb2: {  	_ =	swait.ge [sflag:s29], $0x1  }
0xb3: {  	[sflag:s29] =	ssyncadd.s32 $0xFFFFFFFF  }
0xb4: {  	_ =	strace $0x90000048  }
0xb5: {  	_ =	sfence  }
0xb6: {  	s30 =	sld [smem:$0x0];
	_ =	sdelay $0x2  }
0xb7: {  	s31 =	sshll.u32 s1, $0xD;
	s1 =	sshrl.u32 s1, $0x2  }
0xb8: {  	s3 =	sand.u32 $0x4000, s31;
	s1 =	sadd.s32 s1, s30  }
0xb9: {  	s0 =	sor.u32 s3, s0;
	s1 =	sshll.u32 s1, $0x11  }
0xba: {  	s0 =	sor.u32 s1, s0  }
0xbb: {  	s0 =	sadd.s32 $0x8F2B, s0  }
0xbc: {  	[sflag:s0] =	ssyncadd.remote.s32 $0x1  }
0xbd: {  	_ =	sfence.sel $0xFFFF  }
0xbe: {  	[dreg:$0x0] =	wrdreg $0xFFFFFFFF;
	(pc) =	sbr.abs _section_cstart, $3  }
0xbf: {  	[dreg:$0x1] =	wrdreg $0xFFFFFFFF  }
0xc0: {  	_ =	task.clear_ibuf [dreg:s6], $0x2FFFF;
	_ =	strace $0x9FFFFFFF  }
0xc1: {  	(tm) =	ssettm $0x7FFFFFFF  }
tec
execute0_lowered:
.L_overlay_start_1:
0x0: {  	(tag) =	ssettag $0x1  }
0x1: {  	s4 =	rddreg [dreg:$0x0]  }
0x2: {  	s0 =	rddreg [dreg:$0x1]  }
0x3: {  	s2 =	simm.s32 $0x0;
	s3 =	srdreg.scid;
	s1 =	stileid.u32  }
0x4: {  	s8 =	simm.s32 $0x1;
	s11 =	simm.s32 $0x4C00;
	s12 =	simm.s32 $0x80  }
0x5: {  	s13 =	simm.s32 $0x400;
	s14 =	simm.s32 $0x4800;
	s15 =	simm.s32 $0x4000  }
0x6: {  	s16 =	simm.s32 $0x0;
	[smem:$0x7FF] =	sst s2;
	s6 =	sand.u32 $0x1, s3  }
0x7: {  	s24 =	sshll.u32 s1, $0x1;
	s5 =	sshrl.u32 s1, $0x2;
	_ =	strace $0x80000047  }
0x8: {  	s3 =	sor.u32 s6, s24;
	p1 =	seq.s32 s6, $0x1;
	s25 =	sshll.u32 s5, $0xD  }
0x9: {  	s5 =	sshll.u32 s5, $0xE;
	s29 =	ssub.s32 $0x2, s6;
	p0 =	seq.s32 s3, $0x0  }
0xa: {  	s6 =	sshll.u32 s6, $0xC;
	s7 =	sshll.u32 s3, $0x7;
	p0 =	por !p0, !p1  }
0xb: {  	s31 =	sshrl.u32 s29, $0x1;
	s7 =	sand.u32 $0x380, s7;
	p0 =	por !p0, !p0  }
0xc: {  	s10 =	ssub.s32 s29, s31;
	s3 =	sor.u32 s25, s7;
	s8 =	simm.s32 @!p0 $0x0  }
0xd: {  	s26 =	sor.u32 s5, s7;
	s3 =	sshrl.u32 s3, $0x3;
	s28 =	ssub.s32 s1, s8  }
0xe: {  	s9 =	sadd.s32 s3, s4;
	s3 =	sshrl.u32 s26, $0x3;
	s5 =	sshll.u32 s28, $0xA  }
0xf: {  	s30 =	sadd.s32 s3, s4;
	s3 =	simm.s32 $0x1;
	s5 =	sand.u32 $0x1FFFFC00, s5  }
0x10: {  	v1 =	vlaneseq.u32;
	s7 =	sadd.s32 $0xA000, s9;
	s9 =	smax.u32 s10, $0x1;
	s4 =	sadd.s32 s4, s5  }
0x11: {  	v0 =	vimm.f32 $+Inf;
	v1 =	vmul.u32 $0x80, v1;
	s10 =	simm.s32 $0x2000;
	s8 =	sadd.s32 $0x8000, s30;
	s5 =	sadd.s32 $0x4000, s4  }
.LBB2_1:
0x12: {  	[tilespmem:s2], [sflag:$0x1] =	stream.linear.gather [hbm4b:s5+s2], $0x2000, $0x38;
	[tilespmem:$0x5400] =	vst v63  }
0x13: {  	_ =	swait.ge [sflag:s3], $0x2000  }
0x14: {  	[sflag:s3] =	ssyncset.done $0x0  }
0x15: {  	[sflag:s3] =	ssyncadd.s32 $0xFFFFE000  }
0x16: {  	[tilespmem:s10], [sflag:$0x1] =	stream.linear.gather [hbm4b:s4+s2], $0x2000, $0x38;
	[tilespmem:$0x5400] =	vst v63  }
0x17: {  	_ =	swait.ge [sflag:s3], $0x2000  }
0x18: {  	[sflag:s3] =	ssyncset.done $0x0  }
0x19: {  	s17 =	simm.s32 $0x40;
	s18 =	simm.s32 $0x0;
	[sflag:s3] =	ssyncadd.s32 $0xFFFFE000  }
.LBB2_2:
0x1a: {  	p0 =	sne.s32 s17, $0x1FC0;
	[tilespmem:s18+$0x4000] =	vst v0;
	s18 =	smov.u32 s17;
	s17 =	sadd.s32 $0x40, s17  }
.Ltmp0:
0x1b: {  	(pc) =	sbr.rel @p0 .LBB2_2-.Ltmp0, $2  }
0x1c: {  	_ =	sdelay $0x2  }
0x1d: {  	s18 =	sshra.s32 s18, $0x2  }
0x1e: {  	[tilespmem:s18+$0x4000] =	vst v0;
	s17 =	simm.s32 $0x0;
	s18 =	simm.s32 $0x0  }
.LBB2_4:
0x1f: {  	s20 =	sshll.u32 s18, $0x6  }
0x20: {  	s19 =	sshll.u32 s18, $0x4;
	s20 =	sand.u32 $0xE00, s20  }
0x21: {  	s21 =	sand.u32 $0x70, s19;
	s20 =	sadd.s32 s20, s6  }
0x22: {  	s20 =	sadd.s32 s21, s20  }
0x23: {  	v3 =	vld [tilespmem:s20+$0x0]  }
0x24: {  	v2 =	vld [tilespmem:s20+$0x80]  }
0x25: {  	v4 =	vld [tilespmem:s20+$0x100];
	_ =	sdelay $0x3  }
0x26: {  	v17 =	vbroadcast v3, $0x0;
	v15 =	vbroadcast v2, $0x0  }
0x27: {  	v24 =	vbroadcast v4, $0x0;
	v19 =	vbroadcast v3, $0x1  }
0x28: {  	v14 =	vbroadcast v2, $0x1;
	v25 =	vbroadcast v4, $0x1  }
0x29: {  	s30 =	sand.u32 $0x70, s17;
	s31 =	sand.u32 $0x1E00, s17;
	v21 =	vbroadcast v3, $0x2;
	v13 =	vbroadcast v2, $0x2  }
0x2a: {  	s22 =	sor.u32 s30, s31;
	v28 =	vbroadcast v4, $0x2;
	v23 =	vbroadcast v3, $0x3  }
0x2b: {  	v5 =	vld [tilespmem:s22+$0x2100];
	v16 =	vbroadcast v2, $0x3;
	v31 =	vbroadcast v4, $0x3  }
0x2c: {  	v26 =	vbroadcast v3, $0x4;
	v18 =	vbroadcast v2, $0x4  }
0x2d: {  	v6 =	vimm.f32 $+Inf;
	v34 =	vbroadcast v4, $0x4;
	v30 =	vbroadcast v3, $0x5  }
0x2e: {  	v12 =	vimm.f32 $+Inf;
	v35 =	vbroadcast v4, $0x6;
	v37 =	vbroadcast v4, $0x7  }
0x2f: {  	v11 =	vimm.f32 $+Inf;
	v20 =	vbroadcast v2, $0x5;
	v36 =	vbroadcast v4, $0x5  }
0x30: {  	v33 =	vbroadcast v3, $0x6;
	v7 =	vsub.f32 v5, v35;
	v8 =	vsub.f32 v5, v37  }
0x31: {  	v22 =	vbroadcast v2, $0x6;
	v9 =	vsub.f32 v5, v34;
	v10 =	vsub.f32 v5, v36  }
0x32: {  	v41 =	vld [tilespmem:s22+$0x2000];
	v38 =	vbroadcast v3, $0x7;
	v44 =	vsub.f32 v5, v28;
	v45 =	vsub.f32 v5, v31  }
0x33: {  	v27 =	vbroadcast v2, $0x7;
	v42 =	vsub.f32 v5, v25;
	v43 =	vsub.f32 v5, v24  }
0x34: {  	v5 =	vimm.f32 $+Inf;
	v32 =	vmul.f32 v7, v7;
	v29 =	vmul.f32 v8, v8  }
0x35: {  	v40 =	vmul.f32 v9, v9;
	v39 =	vmul.f32 v10, v10;
	v10 =	vimm.f32 $+Inf  }
0x36: {  	s21 =	simm.s32 $0x10;
	s20 =	simm.s32 $0x0;
	v8 =	vimm.f32 $+Inf;
	v9 =	vimm.f32 $+Inf;
	v7 =	vimm.f32 $+Inf  }
.LBB2_5:
0x37: {  	p0 =	sne.s32 s21, $0x7F0;
	v44 =	vmul.f32 v44, v44;
	v45 =	vmul.f32 v45, v45;
	v46 =	vsub.f32 v41, v38  }
0x38: {  	v42 =	vmul.f32 v42, v42;
	v48 =	vsub.f32 v41, v30;
	v49 =	vsub.f32 v41, v33;
	v47 =	vld [tilespmem:s22+$0x2080]  }
0x39: {  	v50 =	vsub.f32 v41, v23;
	v51 =	vsub.f32 v41, v26;
	v43 =	vmul.f32 v43, v43  }
0x3a: {  	v52 =	vsub.f32 v41, v21;
	v49 =	vmul.f32 v49, v49;
	v46 =	vmul.f32 v46, v46  }
0x3b: {  	v53 =	vsub.f32 v41, v19;
	v51 =	vmul.f32 v51, v51;
	v48 =	vmul.f32 v48, v48  }
0x3c: {  	v41 =	vsub.f32 v41, v17;
	v52 =	vmul.f32 v52, v52;
	v50 =	vmul.f32 v50, v50  }
0x3d: {  	v53 =	vmul.f32 v53, v53;
	v54 =	vsub.f32 v47, v15;
	v55 =	vsub.f32 v47, v27  }
0x3e: {  	v41 =	vmul.f32 v41, v41;
	v56 =	vsub.f32 v47, v14;
	v57 =	vsub.f32 v47, v22  }
0x3f: {  	s23 =	sshra.s32 s20, $0x2;
	v58 =	vsub.f32 v47, v13;
	v59 =	vsub.f32 v47, v20;
	v54 =	vmul.f32 v54, v54  }
0x40: {  	v61 =	vsub.f32 v47, v16;
	v47 =	vsub.f32 v47, v18;
	v56 =	vmul.f32 v56, v56;
	v60 =	vld [tilespmem:s23+$0x4000]  }
0x41: {  	v55 =	vmul.f32 v55, v55;
	v41 =	vadd.f32 v54, v41;
	v54 =	vmul.f32 v58, v58  }
0x42: {  	v57 =	vmul.f32 v57, v57;
	v53 =	vadd.f32 v56, v53;
	v56 =	vmul.f32 v61, v61  }
0x43: {  	v47 =	vmul.f32 v47, v47;
	v41 =	vadd.f32 v43, v41;
	v43 =	vadd.f32 v54, v52  }
0x44: {  	v42 =	vadd.f32 v42, v53;
	v50 =	vadd.f32 v56, v50;
	v52 =	vmul.f32 v59, v59  }
0x45: {  	v53 =	vmin.f32 v60, v41;
	v43 =	vadd.f32 v44, v43;
	v44 =	vadd.f32 v47, v51  }
0x46: {  	v45 =	vadd.f32 v45, v50;
	v48 =	vadd.f32 v52, v48;
	v47 =	vmin.f32 v53, v42  }
0x47: {  	v47 =	vmin.f32 v47, v43;
	v40 =	vadd.f32 v40, v44;
	v44 =	vadd.f32 v57, v49  }
0x48: {  	v46 =	vadd.f32 v55, v46;
	v39 =	vadd.f32 v39, v48;
	v47 =	vmin.f32 v47, v45  }
0x49: {  	v6 =	vmin.f32 v6, v41;
	v41 =	vmin.f32 v47, v40;
	v32 =	vadd.f32 v32, v44  }
0x4a: {  	v29 =	vadd.f32 v29, v46;
	v12 =	vmin.f32 v12, v42;
	v41 =	vmin.f32 v41, v39  }
0x4b: {  	s20 =	sadd.s32 $0x40, s20;
	v11 =	vmin.f32 v11, v43;
	v10 =	vmin.f32 v10, v45;
	v41 =	vmin.f32 v41, v32  }
0x4c: {  	s22 =	sand.u32 $0x70, s21;
	s24 =	sand.u32 $0x1E00, s20;
	v8 =	vmin.f32 v8, v40;
	v9 =	vmin.f32 v9, v39;
	v39 =	vmin.f32 v41, v29  }
0x4d: {  	s22 =	sor.u32 s22, s24;
	v5 =	vmin.f32 v5, v29;
	v7 =	vmin.f32 v7, v32;
	[tilespmem:s23+$0x4000] =	vst v39  }
0x4e: {  	v39 =	vld [tilespmem:s22+$0x2100];
	_ =	sdelay $0x4  }
.Ltmp1:
0x4f: {  	v41 =	vld [tilespmem:s22+$0x2000];
	v29 =	vsub.f32 v39, v35;
	v40 =	vsub.f32 v39, v37;
	(pc) =	sbr.rel @p0 .LBB2_5-.Ltmp1, $4  }
0x50: {  	v46 =	vsub.f32 v39, v34;
	v47 =	vsub.f32 v39, v36  }
0x51: {  	v44 =	vsub.f32 v39, v28;
	v45 =	vsub.f32 v39, v31  }
0x52: {  	v42 =	vsub.f32 v39, v25;
	v32 =	vmul.f32 v29, v29;
	v29 =	vmul.f32 v40, v40  }
0x53: {  	s21 =	sadd.s32 $0x10, s21;
	v43 =	vsub.f32 v39, v24;
	v40 =	vmul.f32 v46, v46;
	v39 =	vmul.f32 v47, v47  }
0x54: {  	v24 =	vmul.f32 v44, v44;
	v25 =	vmul.f32 v45, v45;
	v28 =	vsub.f32 v41, v38  }
0x55: {  	v31 =	vld [tilespmem:s22+$0x2080];
	v34 =	vmul.f32 v42, v42;
	v30 =	vsub.f32 v41, v30;
	v33 =	vsub.f32 v41, v33  }
0x56: {  	v23 =	vsub.f32 v41, v23;
	v26 =	vsub.f32 v41, v26;
	v35 =	vmul.f32 v43, v43  }
0x57: {  	v21 =	vsub.f32 v41, v21;
	v33 =	vmul.f32 v33, v33;
	v28 =	vmul.f32 v28, v28  }
0x58: {  	v19 =	vsub.f32 v41, v19;
	v26 =	vmul.f32 v26, v26;
	v30 =	vmul.f32 v30, v30  }
0x59: {  	v17 =	vsub.f32 v41, v17;
	v21 =	vmul.f32 v21, v21;
	v23 =	vmul.f32 v23, v23  }
0x5a: {  	v19 =	vmul.f32 v19, v19;
	v15 =	vsub.f32 v31, v15;
	v27 =	vsub.f32 v31, v27  }
0x5b: {  	v17 =	vmul.f32 v17, v17;
	v14 =	vsub.f32 v31, v14;
	v22 =	vsub.f32 v31, v22  }
0x5c: {  	s20 =	sshra.s32 s20, $0x2;
	v13 =	vsub.f32 v31, v13;
	v16 =	vsub.f32 v31, v16;
	v15 =	vmul.f32 v15, v15  }
0x5d: {  	v36 =	vld [tilespmem:s20+$0x4000];
	v20 =	vsub.f32 v31, v20;
	v18 =	vsub.f32 v31, v18;
	v14 =	vmul.f32 v14, v14  }
0x5e: {  	v13 =	vmul.f32 v13, v13;
	v16 =	vmul.f32 v16, v16;
	v15 =	vadd.f32 v15, v17  }
0x5f: {  	v18 =	vmul.f32 v18, v18;
	v20 =	vmul.f32 v20, v20;
	v14 =	vadd.f32 v14, v19  }
0x60: {  	v17 =	vmul.f32 v27, v27;
	v13 =	vadd.f32 v13, v21;
	v15 =	vadd.f32 v35, v15  }
0x61: {  	v19 =	vmul.f32 v22, v22;
	v16 =	vadd.f32 v16, v23;
	v14 =	vadd.f32 v34, v14  }
0x62: {  	v18 =	vadd.f32 v18, v26;
	v13 =	vadd.f32 v24, v13;
	v21 =	vmin.f32 v36, v15  }
0x63: {  	v20 =	vadd.f32 v20, v30;
	v16 =	vadd.f32 v25, v16;
	v21 =	vmin.f32 v21, v14  }
0x64: {  	v18 =	vadd.f32 v40, v18;
	v19 =	vadd.f32 v19, v33;
	v21 =	vmin.f32 v21, v13  }
0x65: {  	v20 =	vadd.f32 v39, v20;
	v17 =	vadd.f32 v17, v28;
	v21 =	vmin.f32 v21, v16  }
0x66: {  	v22 =	vadd.f32 v32, v19;
	v21 =	vmin.f32 v21, v18  }
0x67: {  	v17 =	vadd.f32 v29, v17;
	v19 =	vmin.f32 v21, v20  }
0x68: {  	v19 =	vmin.f32 v19, v22  }
0x69: {  	v19 =	vmin.f32 v19, v17  }
0x6a: {  	v6 =	vmin.f32 v6, v15;
	[tilespmem:s20+$0x4000] =	vst v19  }
0x6b: {  	v12 =	vmin.f32 v12, v14;
	[tilespmem:$0x4C00] =	vst v6  }
0x6c: {  	v31 =	vbroadcast v4, $0xC;
	v10 =	vmin.f32 v10, v16;
	[tilespmem:$0x4C80] =	vst v12  }
0x6d: {  	v23 =	vbroadcast v3, $0xC;
	v27 =	vbroadcast v3, $0xD;
	v8 =	vmin.f32 v8, v18;
	[tilespmem:$0x4D80] =	vst v10  }
0x6e: {  	v30 =	vbroadcast v3, $0xE;
	v25 =	vbroadcast v4, $0xA;
	v9 =	vmin.f32 v9, v20;
	[tilespmem:$0x4E00] =	vst v8  }
0x6f: {  	v28 =	vbroadcast v4, $0xB;
	v33 =	vbroadcast v4, $0xD;
	v7 =	vmin.f32 v7, v22;
	[tilespmem:$0x4E80] =	vst v9  }
0x70: {  	v34 =	vbroadcast v4, $0xF;
	v35 =	vbroadcast v3, $0xF;
	v5 =	vmin.f32 v5, v17;
	s20 =	simm.s32 $0x0;
	[tilespmem:$0x4F00] =	vst v7  }
0x71: {  	v24 =	vbroadcast v2, $0xF;
	v15 =	vbroadcast v3, $0x9;
	v6 =	vmin.f32 v11, v13;
	s21 =	sand.u32 $0x70, s20;
	s31 =	sand.u32 $0x1E00, s20;
	[tilespmem:$0x4F80] =	vst v5  }
0x72: {  	v32 =	vbroadcast v4, $0xE;
	v14 =	vbroadcast v2, $0xB;
	[tilespmem:$0x4D00] =	vst v6;
	s22 =	sor.u32 s21, s31  }
0x73: {  	v16 =	vbroadcast v2, $0xC;
	v18 =	vbroadcast v3, $0xA;
	v5 =	vld [tilespmem:s22+$0x2100]  }
0x74: {  	v21 =	vbroadcast v4, $0x9;
	v20 =	vbroadcast v2, $0xE  }
0x75: {  	v22 =	vbroadcast v3, $0xB;
	v17 =	vbroadcast v2, $0xD  }
0x76: {  	v19 =	vbroadcast v4, $0x8;
	v10 =	vbroadcast v3, $0x8  }
0x77: {  	v12 =	vbroadcast v2, $0x9;
	v13 =	vbroadcast v2, $0xA  }
0x78: {  	v11 =	vimm.f32 $+Inf;
	v4 =	vsub.f32 v5, v32;
	v3 =	vsub.f32 v5, v34  }
0x79: {  	v9 =	vimm.f32 $+Inf;
	v7 =	vsub.f32 v5, v31;
	v8 =	vsub.f32 v5, v33  }
0x7a: {  	v6 =	vbroadcast v2, $0x8;
	v38 =	vld [tilespmem:s22+$0x2000];
	v41 =	vsub.f32 v5, v25;
	v42 =	vsub.f32 v5, v28  }
0x7b: {  	v2 =	vimm.f32 $+Inf;
	v39 =	vsub.f32 v5, v21;
	v40 =	vsub.f32 v5, v19  }
0x7c: {  	v5 =	vimm.f32 $+Inf;
	v29 =	vmul.f32 v4, v4;
	v26 =	vmul.f32 v3, v3  }
0x7d: {  	v37 =	vmul.f32 v7, v7;
	v36 =	vmul.f32 v8, v8;
	v7 =	vimm.f32 $+Inf  }
0x7e: {  	s21 =	simm.s32 $0x10;
	v8 =	vimm.f32 $+Inf;
	v4 =	vimm.f32 $+Inf;
	v3 =	vimm.f32 $+Inf  }
.LBB2_7:
0x7f: {  	p0 =	sne.s32 s21, $0x7F0;
	v41 =	vmul.f32 v41, v41;
	v42 =	vmul.f32 v42, v42;
	v43 =	vsub.f32 v38, v35  }
0x80: {  	v39 =	vmul.f32 v39, v39;
	v45 =	vsub.f32 v38, v27;
	v46 =	vsub.f32 v38, v30;
	v44 =	vld [tilespmem:s22+$0x2080]  }
0x81: {  	v47 =	vsub.f32 v38, v22;
	v48 =	vsub.f32 v38, v23;
	v40 =	vmul.f32 v40, v40  }
0x82: {  	v49 =	vsub.f32 v38, v18;
	v46 =	vmul.f32 v46, v46;
	v43 =	vmul.f32 v43, v43  }
0x83: {  	v50 =	vsub.f32 v38, v15;
	v48 =	vmul.f32 v48, v48;
	v45 =	vmul.f32 v45, v45  }
0x84: {  	v38 =	vsub.f32 v38, v10;
	v49 =	vmul.f32 v49, v49;
	v47 =	vmul.f32 v47, v47  }
0x85: {  	v50 =	vmul.f32 v50, v50;
	v51 =	vsub.f32 v44, v6;
	v52 =	vsub.f32 v44, v24  }
0x86: {  	v38 =	vmul.f32 v38, v38;
	v53 =	vsub.f32 v44, v12;
	v54 =	vsub.f32 v44, v20  }
0x87: {  	s23 =	sshra.s32 s20, $0x2;
	v55 =	vsub.f32 v44, v13;
	v56 =	vsub.f32 v44, v17;
	v51 =	vmul.f32 v51, v51  }
0x88: {  	v58 =	vsub.f32 v44, v14;
	v44 =	vsub.f32 v44, v16;
	v53 =	vmul.f32 v53, v53;
	v57 =	vld [tilespmem:s23+$0x4000]  }
0x89: {  	v52 =	vmul.f32 v52, v52;
	v38 =	vadd.f32 v51, v38;
	v51 =	vmul.f32 v55, v55  }
0x8a: {  	v54 =	vmul.f32 v54, v54;
	v50 =	vadd.f32 v53, v50;
	v53 =	vmul.f32 v58, v58  }
0x8b: {  	v44 =	vmul.f32 v44, v44;
	v38 =	vadd.f32 v40, v38;
	v40 =	vadd.f32 v51, v49  }
0x8c: {  	v39 =	vadd.f32 v39, v50;
	v47 =	vadd.f32 v53, v47;
	v49 =	vmul.f32 v56, v56  }
0x8d: {  	v50 =	vmin.f32 v57, v38;
	v40 =	vadd.f32 v41, v40;
	v41 =	vadd.f32 v44, v48  }
0x8e: {  	v42 =	vadd.f32 v42, v47;
	v45 =	vadd.f32 v49, v45;
	v44 =	vmin.f32 v50, v39  }
0x8f: {  	v44 =	vmin.f32 v44, v40;
	v37 =	vadd.f32 v37, v41;
	v41 =	vadd.f32 v54, v46  }
0x90: {  	v43 =	vadd.f32 v52, v43;
	v36 =	vadd.f32 v36, v45;
	v44 =	vmin.f32 v44, v42  }
0x91: {  	v2 =	vmin.f32 v2, v38;
	v38 =	vmin.f32 v44, v37;
	v29 =	vadd.f32 v29, v41  }
0x92: {  	v26 =	vadd.f32 v26, v43;
	v11 =	vmin.f32 v11, v39;
	v38 =	vmin.f32 v38, v36  }
0x93: {  	s20 =	sadd.s32 $0x40, s20;
	v9 =	vmin.f32 v9, v40;
	v7 =	vmin.f32 v7, v42;
	v38 =	vmin.f32 v38, v29  }
0x94: {  	s22 =	sand.u32 $0x70, s21;
	s24 =	sand.u32 $0x1E00, s20;
	v5 =	vmin.f32 v5, v37;
	v8 =	vmin.f32 v8, v36;
	v36 =	vmin.f32 v38, v26  }
0x95: {  	s22 =	sor.u32 s22, s24;
	v3 =	vmin.f32 v3, v26;
	v4 =	vmin.f32 v4, v29;
	[tilespmem:s23+$0x4000] =	vst v36  }
0x96: {  	v36 =	vld [tilespmem:s22+$0x2100];
	_ =	sdelay $0x4  }
.Ltmp2:
0x97: {  	v38 =	vld [tilespmem:s22+$0x2000];
	v26 =	vsub.f32 v36, v32;
	v37 =	vsub.f32 v36, v34;
	(pc) =	sbr.rel @p0 .LBB2_7-.Ltmp2, $4  }
0x98: {  	v43 =	vsub.f32 v36, v31;
	v44 =	vsub.f32 v36, v33  }
0x99: {  	v41 =	vsub.f32 v36, v25;
	v42 =	vsub.f32 v36, v28  }
0x9a: {  	v39 =	vsub.f32 v36, v21;
	v29 =	vmul.f32 v26, v26;
	v26 =	vmul.f32 v37, v37  }
0x9b: {  	s21 =	sadd.s32 $0x10, s21;
	v40 =	vsub.f32 v36, v19;
	v37 =	vmul.f32 v43, v43;
	v36 =	vmul.f32 v44, v44  }
0x9c: {  	v19 =	vmul.f32 v41, v41;
	v21 =	vmul.f32 v42, v42;
	v25 =	vsub.f32 v38, v35  }
0x9d: {  	v28 =	vld [tilespmem:s22+$0x2080];
	v31 =	vmul.f32 v39, v39;
	v27 =	vsub.f32 v38, v27;
	v30 =	vsub.f32 v38, v30  }
0x9e: {  	v22 =	vsub.f32 v38, v22;
	v23 =	vsub.f32 v38, v23;
	v32 =	vmul.f32 v40, v40  }
0x9f: {  	v18 =	vsub.f32 v38, v18;
	v30 =	vmul.f32 v30, v30;
	v25 =	vmul.f32 v25, v25  }
0xa0: {  	v15 =	vsub.f32 v38, v15;
	v23 =	vmul.f32 v23, v23;
	v27 =	vmul.f32 v27, v27  }
0xa1: {  	v10 =	vsub.f32 v38, v10;
	v18 =	vmul.f32 v18, v18;
	v22 =	vmul.f32 v22, v22  }
0xa2: {  	v15 =	vmul.f32 v15, v15;
	v6 =	vsub.f32 v28, v6;
	v24 =	vsub.f32 v28, v24  }
0xa3: {  	v10 =	vmul.f32 v10, v10;
	v12 =	vsub.f32 v28, v12;
	v20 =	vsub.f32 v28, v20  }
0xa4: {  	s20 =	sshra.s32 s20, $0x2;
	v13 =	vsub.f32 v28, v13;
	v17 =	vsub.f32 v28, v17;
	v6 =	vmul.f32 v6, v6  }
0xa5: {  	v33 =	vld [tilespmem:s20+$0x4000];
	v14 =	vsub.f32 v28, v14;
	v16 =	vsub.f32 v28, v16;
	v12 =	vmul.f32 v12, v12  }
0xa6: {  	v35 =	vmul.f32 v13, v13;
	v38 =	vmul.f32 v24, v24;
	v6 =	vadd.f32 v6, v10  }
0xa7: {  	v14 =	vmul.f32 v14, v14;
	v39 =	vmul.f32 v20, v20;
	v12 =	vadd.f32 v12, v15  }
0xa8: {  	v16 =	vmul.f32 v16, v16;
	v10 =	vadd.f32 v35, v18;
	v6 =	vadd.f32 v32, v6  }
0xa9: {  	v17 =	vmul.f32 v17, v17;
	v14 =	vadd.f32 v14, v22;
	v12 =	vadd.f32 v31, v12  }
0xaa: {  	v16 =	vadd.f32 v16, v23;
	v10 =	vadd.f32 v19, v10;
	v40 =	vmin.f32 v33, v6  }
0xab: {  	v17 =	vadd.f32 v17, v27;
	v14 =	vadd.f32 v21, v14;
	v18 =	vmin.f32 v40, v12  }
0xac: {  	v15 =	vadd.f32 v39, v30;
	v16 =	vadd.f32 v37, v16;
	v18 =	vmin.f32 v18, v10  }
0xad: {  	v13 =	vadd.f32 v38, v25;
	v17 =	vadd.f32 v36, v17;
	v18 =	vmin.f32 v18, v14  }
0xae: {  	v15 =	vadd.f32 v29, v15;
	v18 =	vmin.f32 v18, v16  }
0xaf: {  	v13 =	vadd.f32 v26, v13;
	v18 =	vmin.f32 v18, v17  }
0xb0: {  	v18 =	vmin.f32 v18, v15  }
0xb1: {  	v18 =	vmin.f32 v18, v13  }
0xb2: {  	v2 =	vmin.f32 v2, v6;
	[tilespmem:s20+$0x4000] =	vst v18  }
0xb3: {  	v41 =	vmin.f32 v11, v12;
	[tilespmem:$0x5000] =	vst v2  }
0xb4: {  	v42 =	vmin.f32 v7, v14;
	[tilespmem:$0x5080] =	vst v41  }
0xb5: {  	v43 =	vmin.f32 v8, v17;
	[tilespmem:$0x5180] =	vst v42  }
0xb6: {  	v4 =	vmin.f32 v4, v15;
	[tilespmem:$0x5280] =	vst v43  }
0xb7: {  	v44 =	vor.u32 $0x2, v1;
	v3 =	vmin.f32 v3, v13;
	[tilespmem:$0x5300] =	vst v4  }
0xb8: {  	v45 =	vor.u32 $0x3, v1;
	v2 =	vmin.f32 v9, v10;
	[tilespmem:$0x5380] =	vst v3  }
0xb9: {  	v46 =	vor.u32 $0x5, v1;
	[tilespmem:$0x5100] =	vst v2;
	v2 =	vmin.f32 v5, v16  }
0xba: {  	v47 =	vor.u32 $0x6, v1;
	[tilespmem:$0x5200] =	vst v2  }
0xbb: {  	v48 =	vor.u32 $0x7, v1;
	v6 =	vld.idx.msk [tilespmem:v1+s11+$0x0], $0xffff  }
0xbc: {  	v49 =	vor.u32 $0x8, v1;
	v5 =	vld.idx.msk [tilespmem:v44+s11+$0x0], $0xffff  }
0xbd: {  	v50 =	vor.u32 $0x9, v1;
	v4 =	vld.idx.msk [tilespmem:v45+s11+$0x0], $0xffff  }
0xbe: {  	v51 =	vor.u32 $0xA, v1;
	v7 =	vld.idx.msk [tilespmem:v46+s11+$0x0], $0xffff  }
0xbf: {  	v52 =	vor.u32 $0xB, v1;
	v8 =	vld.idx.msk [tilespmem:v47+s11+$0x0], $0xffff  }
0xc0: {  	v53 =	vor.u32 $0xC, v1;
	v9 =	vld.idx.msk [tilespmem:v48+s11+$0x0], $0xffff  }
0xc1: {  	v54 =	vor.u32 $0xD, v1;
	v10 =	vld.idx.msk [tilespmem:v49+s11+$0x0], $0xffff  }
0xc2: {  	v55 =	vor.u32 $0xE, v1;
	v11 =	vld.idx.msk [tilespmem:v50+s11+$0x0], $0xffff  }
0xc3: {  	v56 =	vor.u32 $0xF, v1;
	v12 =	vld.idx.msk [tilespmem:v51+s11+$0x0], $0xffff  }
0xc4: {  	v3 =	vor.u32 $0x4, v1;
	v13 =	vld.idx.msk [tilespmem:v52+s11+$0x0], $0xffff  }
0xc5: {  	v2 =	vor.u32 $0x1, v1;
	v14 =	vld.idx.msk [tilespmem:v53+s11+$0x0], $0xffff  }
0xc6: {  	v15 =	vld.idx.msk [tilespmem:v54+s11+$0x0], $0xffff  }
0xc7: {  	v16 =	vld.idx.msk [tilespmem:v55+s11+$0x0], $0xffff  }
0xc8: {  	v17 =	vld.idx.msk [tilespmem:v56+s11+$0x0], $0xffff  }
0xc9: {  	v3 =	vld.idx.msk [tilespmem:v3+s11+$0x0], $0xffff  }
0xca: {  	v2 =	vld.idx.msk [tilespmem:v2+s11+$0x0], $0xffff;
	_ =	sdelay $0x2  }
0xcb: {  	s18 =	sadd.s32 $0x1, s18;
	v4 =	vmin.f32 v5, v4;
	v57 =	vmin.f32 v8, v9;
	v58 =	vmin.f32 v10, v11  }
0xcc: {  	p0 =	sne.s32 s18, $0x40;
	v59 =	vmin.f32 v12, v13;
	v60 =	vmin.f32 v14, v15;
	v61 =	vmin.f32 v16, v17  }
.Ltmp3:
0xcd: {  	v62 =	vmin.f32 v58, v59;
	v3 =	vmin.f32 v3, v7;
	v2 =	vmin.f32 v6, v2;
	(pc) =	sbr.rel @p0 .LBB2_4-.Ltmp3, $4  }
0xce: {  	v63 =	vmin.f32 v60, v61;
	v3 =	vmin.f32 v3, v57;
	v2 =	vmin.f32 v2, v4  }
0xcf: {  	v2 =	vmin.f32 v2, v3;
	v3 =	vmin.f32 v62, v63  }
0xd0: {  	v2 =	vmin.f32 v2, v3  }
0xd1: {  	[tilespmem:s19+$0x4800] =	vst v2  }
0xd2: {  	[hbm4b:s7+s12] =	stream.strided.scatter [tilespmem:s14], [sflag:$0x1], $0x400, s13, s12, $0x38;
	[tilespmem:$0x5400] =	vst v63  }
0xd3: {  	s16 =	sadd.s32 $0x1, s16;
	_ =	swait.ge [sflag:s3], $0x400  }
0xd4: {  	p0 =	sne.s32 s16, s9;
	[sflag:s3] =	ssyncset.done $0x0  }
.Ltmp4:
0xd5: {  	[sflag:s3] =	ssyncadd.s32 $0xFFFFFC00;
	(pc) =	sbr.rel @p0 .LBB2_1-.Ltmp4, $4  }
0xd6: {  	[hbm4b:s8+s12] =	stream.strided.scatter [tilespmem:s15], [sflag:$0x1], $0x800, s13, s12, $0x38;
	[tilespmem:$0x5400] =	vst v63  }
0xd7: {  	_ =	swait.ge [sflag:s3], $0x800  }
0xd8: {  	[sflag:s3] =	ssyncset.done $0x0  }
0xd9: {  	[sflag:s3] =	ssyncadd.s32 $0xFFFFF800  }
0xda: {  	_ =	sfence.sel $0x180000  }
0xdb: {  	[bflag:$0x0] =	sbarrier.arrive $0xFFFF  }
0xdc: {  	p0 =	sne.s32 s1, $0x0;
	_ =	strace $0x90000047  }
0xdd: {  	s0 =	sadd.s32 @!p0 $0x100000, s0;
	[bflag:$0x2] =	sbarrier.arrive $0xFFFF  }
0xde: {  	[sflag:s0] =	ssyncadd.tile.s32 @!p0 $0x1;
	_ =	shalt  }
.Lfunc_end2:
_tile_overlayer_lowered:
.L_overlay_start_2:
0xdf: {  	(tag) =	ssettag $0x2  }
0xe0: {  	s0 =	rddreg [dreg:$0x0];
	s2 =	stileid.u32  }
0xe1: {  	s1 =	rddreg [dreg:$0x1];
	p0 =	sne.s32 s2, $0x0  }
0xe2: {  	s3 =	rddreg [dreg:$0x2];
	[bflag:$0x3] =	sbarrier.arrive $0xFFFF;
	s2 =	simm.s32 @!p0 $0x1C01  }
0xe3: {  	[timem:s3], [sflag:s2] =	dma.local @!p0 [hbm:s0], s1  }
0xe4: {  	s0 =	simm.s32 @!p0 $0x1  }
0xe5: {  	_ =	swait.ge @!p0 [sflag:s0], s1  }
0xe6: {  	s1 =	ssub.s32 @!p0 $0x0, s1;
	[sflag:s0] =	ssyncset.done @!p0 $0x0  }
0xe7: {  	[sflag:s0] =	ssyncadd.s32 @!p0 s1  }
0xe8: {  	[bflag:$0x3] =	sbarrier.arrive $0xFFFF  }
0xe9: {  	_ =	shalt  }

</sc_bundles>
